<compile_context>
chip_gen: v7x
topology: tpu7x:2x2x1
jax: 0.10.2.dev20260603
libtpu: 0.0.44.dev20260713+nightly
codegen_flags: <defaults>
</compile_context>

<pallas_src>
import jax
import jax.numpy as jnp
from jax import lax
from jax.experimental import pallas as pl
from jax.experimental.pallas import tpu as pltpu
from jax.experimental.pallas import tpu_sc as plsc

VOCAB = 8192
BB, TT = 8, 2048
N = BB * TT
NC, NS, L = 2, 16, 16
NW = NC * NS
RPW = N // NW
CHUNK = 4
NCH = RPW // CHUNK
NBUF = 3

_mesh = plsc.VectorSubcoreMesh(core_axis_name="c", subcore_axis_name="s")


def _gather_body(table_hbm, idx_hbm, tgt_hbm, out_hbm, psum_hbm,
                 idx_v, tgt_v, psum_v, *rest):
    wid = lax.axis_index("s") * NC + lax.axis_index("c")
    base = wid * RPW
    pltpu.sync_copy(idx_hbm.at[wid], idx_v)
    pltpu.sync_copy(tgt_hbm.at[wid], tgt_v.at[pl.ds(0, NCH * 8)])

    bufs = rest[:NBUF]
    gsem = rest[NBUF:2 * NBUF]
    ssem = rest[2 * NBUF:3 * NBUF]
    lanes = lax.iota(jnp.int32, L)

    for m in range(NBUF - 1):
        pltpu.async_copy(table_hbm.at[idx_v.at[m]], bufs[m], gsem[m])

    def body(t, psum):
        for j in range(NBUF):
            k = NBUF * t + j
            a = (j + NBUF - 1) % NBUF

            @pl.when(k < NCH)
            def _():
                pltpu.make_async_copy(table_hbm.at[idx_v.at[k]],
                                      bufs[j], gsem[j]).wait()
                pltpu.async_copy(
                    bufs[j], out_hbm.at[pl.ds(base + k * CHUNK, CHUNK)],
                    ssem[j])
            @pl.when(k + NBUF - 1 < NCH)
            def _():
                @pl.when(k > 0)
                def _():
                    pltpu.make_async_copy(
                        bufs[a],
                        out_hbm.at[pl.ds(base + (k - 1) * CHUNK, CHUNK)],
                        ssem[a]).wait()
                pltpu.async_copy(table_hbm.at[idx_v.at[k + NBUF - 1]],
                                 bufs[a], gsem[a])

            tk = tgt_v[pl.ds(k * 8, L)]
            pick = jnp.zeros((L,), jnp.float32)
            for r in range(CHUNK):
                c = tk[r] & (VOCAB - 1)
                j0 = pl.multiple_of((c >> 4) << 4, L)
                l0 = c & (L - 1)
                v = bufs[j][r, pl.ds(j0, L)]
                pick = pick + jnp.where(lanes == l0, v, 0.0)
            psum = psum + jnp.where(k < NCH, pick, 0.0)
        return psum

    nsteps = (NCH + NBUF - 1) // NBUF
    psum = lax.fori_loop(0, nsteps, body, jnp.zeros((L,), jnp.float32))

    for k in range(NCH - NBUF, NCH):
        j = k % NBUF
        pltpu.make_async_copy(
            bufs[j], out_hbm.at[pl.ds(base + k * CHUNK, CHUNK)],
            ssem[j]).wait()

    psum_v[...] = psum
    pltpu.sync_copy(psum_v, psum_hbm.at[wid])


def _sc_gather(table, idx3, tgt_pad):
    k = pl.kernel(
        _gather_body,
        out_type=(jax.ShapeDtypeStruct((N, VOCAB), jnp.float32),
                  jax.ShapeDtypeStruct((NW, L), jnp.float32)),
        mesh=_mesh,
        scratch_types=[
            pltpu.VMEM((NCH, CHUNK), jnp.int32),
            pltpu.VMEM((NCH * 8 + 4 * L,), jnp.int32),
            pltpu.VMEM((L,), jnp.float32),
            *[pltpu.VMEM((CHUNK, VOCAB), jnp.float32) for _ in range(NBUF)],
            *[pltpu.SemaphoreType.DMA for _ in range(2 * NBUF)],
        ],
    )
    return k(table, idx3, tgt_pad)


_LSE_R = 128


def _lse_kernel(tab_ref, out_ref):
    x = tab_ref[...]
    m = jnp.max(x, axis=1, keepdims=True)
    s = jnp.sum(jnp.exp(x - m), axis=1, keepdims=True)
    out_ref[...] = m + jnp.log(s)


def _tc_lse(table):
    out = pl.pallas_call(
        _lse_kernel,
        grid=(VOCAB // _LSE_R,),
        in_specs=[pl.BlockSpec((_LSE_R, VOCAB), lambda i: (i, 0))],
        out_specs=pl.BlockSpec((_LSE_R, 1), lambda i: (i, 0)),
        out_shape=jax.ShapeDtypeStruct((VOCAB, 1), jnp.float32),
    )(table)
    return out.reshape(VOCAB)


def _loss_body(lse_hbm, idx_hbm, psum_hbm, out_hbm,
               idx_v, lse_g, ps_v, acc_v, sem):
    wid = lax.axis_index("s") * NC + lax.axis_index("c")
    pltpu.sync_copy(idx_hbm.at[wid], idx_v)
    pltpu.sync_copy(psum_hbm.at[wid], ps_v)

    def gather128(j, _):
        off = j * 128
        pltpu.async_copy(lse_hbm.at[idx_v.at[pl.ds(off, 128)]],
                         lse_g.at[pl.ds(off, 128)], sem).wait()
        return 0
    lax.fori_loop(0, RPW // 128, gather128, 0)

    def accum(j, acc):
        off = j * L
        return acc + lse_g[pl.ds(off, L)]
    acc = lax.fori_loop(0, RPW // L, accum, jnp.zeros((L,), jnp.float32))
    acc_v[...] = acc - ps_v[...]
    pltpu.sync_copy(acc_v, out_hbm.at[wid])


def _sc_loss_partials(lse, idx2, psum):
    k = pl.kernel(
        _loss_body,
        out_type=jax.ShapeDtypeStruct((NW, L), jnp.float32),
        mesh=_mesh,
        scratch_types=[
            pltpu.VMEM((RPW,), jnp.int32),
            pltpu.VMEM((RPW,), jnp.float32),
            pltpu.VMEM((L,), jnp.float32),
            pltpu.VMEM((L,), jnp.float32),
            pltpu.SemaphoreType.DMA,
        ],
    )
    return k(lse, idx2, psum)


def kernel(idx, targets, table):
    idx_flat = idx.reshape(N).astype(jnp.int32)
    tgt_flat = targets.reshape(N).astype(jnp.int32)
    tgt_pad = jnp.pad(tgt_flat.reshape(NW, NCH, CHUNK),
                      ((0, 0), (0, 0), (0, 8 - CHUNK))).reshape(NW, NCH * 8)

    logits_flat, psum = _sc_gather(table, idx_flat.reshape(NW, NCH, CHUNK),
                                   tgt_pad)
    lse = _tc_lse(table)
    partials = _sc_loss_partials(lse, idx_flat.reshape(NW, RPW), psum)

    loss = jnp.sum(partials) / jnp.float32(N)
    return logits_flat.reshape(BB, TT, VOCAB), loss

# --- scband reference (transcript-rebuilt; emitter-appended) ---
"""Pipeline reference for scband-bigram-language-model-53429393162805 (READ-ONLY COPY).

The authoritative reference and input builder live on the scoring server;
editing this copy changes nothing except your own understanding.
"""

import jax, jax.numpy as jnp
import numpy as np

VOCAB = 8192
B, T = 8, 2048

def setup_inputs(seed: int = 0) -> dict:
    key = jax.random.key(seed)
    k1, k2, k3 = jax.random.split(key, 3)
    idx = jax.random.randint(k1, (B, T), 0, VOCAB, dtype=jnp.int64)
    targets = jax.random.randint(k2, (B, T), 0, VOCAB, dtype=jnp.int64)
    # learned parameter: nn.Embedding(vocab_size, vocab_size) table
    table = jax.random.normal(k3, (VOCAB, VOCAB), dtype=jnp.float32) * 0.02
    return {"idx": idx, "targets": targets, "table": table}

def reference(idx, targets, table):
    # logits: each token's row of the embedding table directly gives
    # next-token logits. gather -> (B, T, vocab)
    logits = jnp.take(table, idx, axis=0)
    # cross-entropy loss, matching F.cross_entropy(logits.view(B*T,V), targets.view(B*T))
    logits_flat = logits.reshape(-1, VOCAB)
    targets_flat = targets.reshape(-1)
    log_z = jax.scipy.special.logsumexp(logits_flat, axis=-1)
    picked = jnp.take_along_axis(logits_flat, targets_flat[:, None], axis=-1)[:, 0]
    loss = jnp.mean(log_z - picked)
    return (logits, loss)

if __name__ == "__main__":
    import jax
    _d = setup_inputs()
    print(jax.jit(kernel)(*tuple(_d.values())))

</pallas_src>

<mosaic_0001>
#map = affine_map<(d0, d1) -> (0, 0)>
#map1 = affine_map<(d0, d1) -> (0, 0, 0)>
module attributes {stable_mosaic.version = 14 : i64} {
  func.func @_gather_body(%arg0: i32, %arg1: i32, %arg2: memref<8192x8192xf32, #tpu.memory_space<hbm>>, %arg3: memref<32x128x4xi32, #tpu.memory_space<hbm>>, %arg4: memref<32x1024xi32, #tpu.memory_space<hbm>>, %arg5: memref<16384x8192xf32, #tpu.memory_space<hbm>>, %arg6: memref<32x16xf32, #tpu.memory_space<hbm>>, %arg7: memref<128x4xi32, #tpu.memory_space<vmem>>, %arg8: memref<1088xi32, #tpu.memory_space<vmem>>, %arg9: memref<16xf32, #tpu.memory_space<vmem>>, %arg10: memref<4x8192xf32, #tpu.memory_space<vmem>>, %arg11: memref<4x8192xf32, #tpu.memory_space<vmem>>, %arg12: memref<4x8192xf32, #tpu.memory_space<vmem>>, %arg13: memref<!tpu.dma_semaphore, #tpu.memory_space<semaphore_mem>>, %arg14: memref<!tpu.dma_semaphore, #tpu.memory_space<semaphore_mem>>, %arg15: memref<!tpu.dma_semaphore, #tpu.memory_space<semaphore_mem>>, %arg16: memref<!tpu.dma_semaphore, #tpu.memory_space<semaphore_mem>>, %arg17: memref<!tpu.dma_semaphore, #tpu.memory_space<semaphore_mem>>, %arg18: memref<!tpu.dma_semaphore, #tpu.memory_space<semaphore_mem>>) attributes {dimension_semantics = [#tpu.dimension_semantics<core_parallel>, #tpu.dimension_semantics<subcore_parallel>], iteration_bounds = array<i64: 2, 16>, scalar_prefetch = 0 : i64, scratch_operands = 12 : i64, tpu.core_type = #tpu.core_type<sc_vector_subcore>, window_params = [{transform_indices = #map}, {transform_indices = #map1}, {transform_indices = #map}, {transform_indices = #map}, {transform_indices = #map}]} {
    %mul3A = arith.constant 2 : i32
    %mul3A_0 = arith.muli %arg1, %mul3A : i32
    %add3A = arith.addi %mul3A_0, %arg0 : i32
    %mul3A_1 = arith.constant 512 : i32
    %mul3A_2 = arith.muli %add3A, %mul3A_1 : i32
    "tpu.region"() ({
      %run_scoped3A = tpu.sem_alloc : memref<!tpu.dma_semaphore, #tpu.memory_space<semaphore_mem>>
      %dma_start3A_42 = arith.constant 0 : i32
      %dma_start3A_43 = arith.constant 0 : i32
      %dma_start3A_44 = tpu.memref_slice %arg3[%add3A, %dma_start3A_42, %dma_start3A_43] : memref<32x128x4xi32, #tpu.memory_space<hbm>> -> memref<1x128x4xi32, #tpu.memory_space<hbm>>
      %dma_start3A_45 = tpu.memref_squeeze %dma_start3A_44 : memref<1x128x4xi32, #tpu.memory_space<hbm>> -> memref<128x4xi32, #tpu.memory_space<hbm>>
      %dma_start3A_46 = arith.constant 0 : i32
      %dma_start3A_47 = arith.constant 0 : i32
      %dma_start3A_48 = tpu.memref_slice %arg3[%add3A, %dma_start3A_46, %dma_start3A_47] : memref<32x128x4xi32, #tpu.memory_space<hbm>> -> memref<1x128x4xi32, #tpu.memory_space<hbm>>
      %dma_start3A_49 = tpu.memref_squeeze %dma_start3A_48 : memref<1x128x4xi32, #tpu.memory_space<hbm>> -> memref<128x4xi32, #tpu.memory_space<hbm>>
      tpu.enqueue_dma source(%dma_start3A_49 : memref<128x4xi32, #tpu.memory_space<hbm>>) target(%arg7 : memref<128x4xi32, #tpu.memory_space<vmem>>) target_semaphore(%run_scoped3A : memref<!tpu.dma_semaphore, #tpu.memory_space<semaphore_mem>>)
      %dma_wait3A_50 = arith.constant 0 : i32
      %dma_wait3A_51 = arith.constant 0 : i32
      %dma_wait3A_52 = tpu.memref_slice %arg3[%add3A, %dma_wait3A_50, %dma_wait3A_51] : memref<32x128x4xi32, #tpu.memory_space<hbm>> -> memref<1x128x4xi32, #tpu.memory_space<hbm>>
      %dma_wait3A_53 = tpu.memref_squeeze %dma_wait3A_52 : memref<1x128x4xi32, #tpu.memory_space<hbm>> -> memref<128x4xi32, #tpu.memory_space<hbm>>
      %dma_wait3A_54 = arith.constant 0 : i32
      %dma_wait3A_55 = arith.constant 0 : i32
      %dma_wait3A_56 = tpu.memref_slice %arg3[%add3A, %dma_wait3A_54, %dma_wait3A_55] : memref<32x128x4xi32, #tpu.memory_space<hbm>> -> memref<1x128x4xi32, #tpu.memory_space<hbm>>
      %dma_wait3A_57 = tpu.memref_squeeze %dma_wait3A_56 : memref<1x128x4xi32, #tpu.memory_space<hbm>> -> memref<128x4xi32, #tpu.memory_space<hbm>>
      tpu.wait_dma2 semaphore(%run_scoped3A : memref<!tpu.dma_semaphore, #tpu.memory_space<semaphore_mem>>) src(%dma_wait3A_57 : memref<128x4xi32, #tpu.memory_space<hbm>>) dst(%arg7 : memref<128x4xi32, #tpu.memory_space<vmem>>)
      tpu.yield
    }) : () -> ()
    "tpu.region"() ({
      %run_scoped3A = tpu.sem_alloc : memref<!tpu.dma_semaphore, #tpu.memory_space<semaphore_mem>>
      %dma_start3A_42 = arith.constant 0 : i32
      %dma_start3A_43 = tpu.memref_slice %arg8[%dma_start3A_42] : memref<1088xi32, #tpu.memory_space<vmem>> -> memref<1024xi32, #tpu.memory_space<vmem>>
      %dma_start3A_44 = arith.constant 0 : i32
      %dma_start3A_45 = tpu.memref_slice %arg4[%add3A, %dma_start3A_44] : memref<32x1024xi32, #tpu.memory_space<hbm>> -> memref<1x1024xi32, #tpu.memory_space<hbm>>
      %dma_start3A_46 = tpu.memref_squeeze %dma_start3A_45 : memref<1x1024xi32, #tpu.memory_space<hbm>> -> memref<1024xi32, #tpu.memory_space<hbm>>
      %dma_start3A_47 = arith.constant 0 : i32
      %dma_start3A_48 = tpu.memref_slice %arg8[%dma_start3A_47] : memref<1088xi32, #tpu.memory_space<vmem>> -> memref<1024xi32, #tpu.memory_space<vmem>>
      %dma_start3A_49 = arith.constant 0 : i32
      %dma_start3A_50 = tpu.memref_slice %arg4[%add3A, %dma_start3A_49] : memref<32x1024xi32, #tpu.memory_space<hbm>> -> memref<1x1024xi32, #tpu.memory_space<hbm>>
      %dma_start3A_51 = tpu.memref_squeeze %dma_start3A_50 : memref<1x1024xi32, #tpu.memory_space<hbm>> -> memref<1024xi32, #tpu.memory_space<hbm>>
      tpu.enqueue_dma source(%dma_start3A_51 : memref<1024xi32, #tpu.memory_space<hbm>>) target(%dma_start3A_48 : memref<1024xi32, #tpu.memory_space<vmem>>) target_semaphore(%run_scoped3A : memref<!tpu.dma_semaphore, #tpu.memory_space<semaphore_mem>>)
      %dma_wait3A_52 = arith.constant 0 : i32
      %dma_wait3A_53 = tpu.memref_slice %arg8[%dma_wait3A_52] : memref<1088xi32, #tpu.memory_space<vmem>> -> memref<1024xi32, #tpu.memory_space<vmem>>
      %dma_wait3A_54 = arith.constant 0 : i32
      %dma_wait3A_55 = tpu.memref_slice %arg4[%add3A, %dma_wait3A_54] : memref<32x1024xi32, #tpu.memory_space<hbm>> -> memref<1x1024xi32, #tpu.memory_space<hbm>>
      %dma_wait3A_56 = tpu.memref_squeeze %dma_wait3A_55 : memref<1x1024xi32, #tpu.memory_space<hbm>> -> memref<1024xi32, #tpu.memory_space<hbm>>
      %dma_wait3A_57 = arith.constant 0 : i32
      %dma_wait3A_58 = tpu.memref_slice %arg8[%dma_wait3A_57] : memref<1088xi32, #tpu.memory_space<vmem>> -> memref<1024xi32, #tpu.memory_space<vmem>>
      %dma_wait3A_59 = arith.constant 0 : i32
      %dma_wait3A_60 = tpu.memref_slice %arg4[%add3A, %dma_wait3A_59] : memref<32x1024xi32, #tpu.memory_space<hbm>> -> memref<1x1024xi32, #tpu.memory_space<hbm>>
      %dma_wait3A_61 = tpu.memref_squeeze %dma_wait3A_60 : memref<1x1024xi32, #tpu.memory_space<hbm>> -> memref<1024xi32, #tpu.memory_space<hbm>>
      tpu.wait_dma2 semaphore(%run_scoped3A : memref<!tpu.dma_semaphore, #tpu.memory_space<semaphore_mem>>) src(%dma_wait3A_61 : memref<1024xi32, #tpu.memory_space<hbm>>) dst(%dma_wait3A_58 : memref<1024xi32, #tpu.memory_space<vmem>>)
      tpu.yield
    }) : () -> ()
    %iota3A = tpu.iota {dimensions = array<i32: 0>} : vector<16xi32>
    %dma_start3A = arith.constant 0 : i32
    %dma_start3A_3 = arith.constant 0 : i32
    %dma_start3A_4 = tpu.memref_slice %arg7[%dma_start3A, %dma_start3A_3] : memref<128x4xi32, #tpu.memory_space<vmem>> -> memref<1x4xi32, #tpu.memory_space<vmem>>
    %dma_start3A_5 = tpu.memref_squeeze %dma_start3A_4 : memref<1x4xi32, #tpu.memory_space<vmem>> -> memref<4xi32, #tpu.memory_space<vmem>>
    %dma_start3A_6 = arith.constant 0 : i32
    %dma_start3A_7 = arith.constant 0 : i32
    %dma_start3A_8 = tpu.memref_slice %arg2[%dma_start3A_6, %dma_start3A_7] : memref<8192x8192xf32, #tpu.memory_space<hbm>> -> memref<8192x8192xf32, #tpu.memory_space<hbm>>
    tpu.enqueue_indirect_dma source(%dma_start3A_8 : memref<8192x8192xf32, #tpu.memory_space<hbm>>) target(%arg10 : memref<4x8192xf32, #tpu.memory_space<vmem>>) offsets(%dma_start3A_5 : memref<4xi32, #tpu.memory_space<vmem>>) semaphore(%arg13 : memref<!tpu.dma_semaphore, #tpu.memory_space<semaphore_mem>>)
    %dma_start3A_9 = arith.constant 1 : i32
    %dma_start3A_10 = arith.constant 0 : i32
    %dma_start3A_11 = tpu.memref_slice %arg7[%dma_start3A_9, %dma_start3A_10] : memref<128x4xi32, #tpu.memory_space<vmem>> -> memref<1x4xi32, #tpu.memory_space<vmem>>
    %dma_start3A_12 = tpu.memref_squeeze %dma_start3A_11 : memref<1x4xi32, #tpu.memory_space<vmem>> -> memref<4xi32, #tpu.memory_space<vmem>>
    %dma_start3A_13 = arith.constant 0 : i32
    %dma_start3A_14 = arith.constant 0 : i32
    %dma_start3A_15 = tpu.memref_slice %arg2[%dma_start3A_13, %dma_start3A_14] : memref<8192x8192xf32, #tpu.memory_space<hbm>> -> memref<8192x8192xf32, #tpu.memory_space<hbm>>
    tpu.enqueue_indirect_dma source(%dma_start3A_15 : memref<8192x8192xf32, #tpu.memory_space<hbm>>) target(%arg11 : memref<4x8192xf32, #tpu.memory_space<vmem>>) offsets(%dma_start3A_12 : memref<4xi32, #tpu.memory_space<vmem>>) semaphore(%arg14 : memref<!tpu.dma_semaphore, #tpu.memory_space<semaphore_mem>>)
    %broadcast_in_dim3A = arith.constant 0.000000e+00 : f32
    %broadcast_in_dim3A_16 = vector.broadcast %broadcast_in_dim3A : f32 to vector<16xf32>
    %scan3A = arith.constant 0 : i32
    %scan3A_17 = arith.constant 43 : i32
    %scan3A_18 = arith.addi %scan3A, %scan3A_17 : i32
    %scan3A_19 = arith.constant 1 : i32
    %scan3A_20 = scf.for %scan3A_42 = %scan3A to %scan3A_18 step %scan3A_19 iter_args(%scan3A_43 = %broadcast_in_dim3A_16) -> (vector<16xf32>)  : i32 {
      %mul3A_44 = arith.constant 3 : i32
      %mul3A_45 = arith.muli %mul3A_44, %scan3A_42 : i32
      %add3A_46 = arith.constant 0 : i32
      %add3A_47 = arith.addi %mul3A_45, %add3A_46 : i32
      %lt3A = arith.constant 128 : i32
      %lt3A_48 = arith.cmpi slt, %add3A_47, %lt3A : i32
      %convert_element_type3A = arith.extui %lt3A_48 : i1 to i32
      %cond3A = arith.constant 0 : i32
      %cond3A_49 = arith.cmpi ne, %convert_element_type3A, %cond3A : i32
      scf.if %cond3A_49 {
        %dma_wait3A_387 = arith.constant 0 : i32
        %dma_wait3A_388 = tpu.memref_slice %arg7[%add3A_47, %dma_wait3A_387] : memref<128x4xi32, #tpu.memory_space<vmem>> -> memref<1x4xi32, #tpu.memory_space<vmem>>
        %dma_wait3A_389 = tpu.memref_squeeze %dma_wait3A_388 : memref<1x4xi32, #tpu.memory_space<vmem>> -> memref<4xi32, #tpu.memory_space<vmem>>
        %dma_wait3A_390 = arith.constant 0 : i32
        %dma_wait3A_391 = arith.constant 0 : i32
        %dma_wait3A_392 = tpu.memref_slice %arg2[%dma_wait3A_390, %dma_wait3A_391] : memref<8192x8192xf32, #tpu.memory_space<hbm>> -> memref<8192x8192xf32, #tpu.memory_space<hbm>>
        tpu.wait_indirect_dma semaphore(%arg13 : memref<!tpu.dma_semaphore, #tpu.memory_space<semaphore_mem>>) src(%dma_wait3A_392 : memref<8192x8192xf32, #tpu.memory_space<hbm>>) dst(%arg10 : memref<4x8192xf32, #tpu.memory_space<vmem>>)
        %mul3A_393 = arith.constant 4 : i32
        %mul3A_394 = arith.muli %add3A_47, %mul3A_393 : i32
        %add3A_395 = arith.addi %mul3A_2, %mul3A_394 : i32
        %dma_start3A_396 = arith.constant 0 : i32
        %dma_start3A_397 = tpu.memref_slice %arg5[%add3A_395, %dma_start3A_396] : memref<16384x8192xf32, #tpu.memory_space<hbm>> -> memref<4x8192xf32, #tpu.memory_space<hbm>>
        %dma_start3A_398 = arith.constant 0 : i32
        %dma_start3A_399 = tpu.memref_slice %arg5[%add3A_395, %dma_start3A_398] : memref<16384x8192xf32, #tpu.memory_space<hbm>> -> memref<4x8192xf32, #tpu.memory_space<hbm>>
        tpu.enqueue_dma source(%arg10 : memref<4x8192xf32, #tpu.memory_space<vmem>>) target(%dma_start3A_399 : memref<4x8192xf32, #tpu.memory_space<hbm>>) target_semaphore(%arg16 : memref<!tpu.dma_semaphore, #tpu.memory_space<semaphore_mem>>)
      } else {
      }
      %add3A_50 = arith.constant 3 : i32
      %add3A_51 = arith.addi %add3A_47, %add3A_50 : i32
      %sub3A = arith.constant 1 : i32
      %sub3A_52 = arith.subi %add3A_51, %sub3A : i32
      %lt3A_53 = arith.constant 128 : i32
      %lt3A_54 = arith.cmpi slt, %sub3A_52, %lt3A_53 : i32
      %convert_element_type3A_55 = arith.extui %lt3A_54 : i1 to i32
      %cond3A_56 = arith.constant 0 : i32
      %cond3A_57 = arith.cmpi ne, %convert_element_type3A_55, %cond3A_56 : i32
      scf.if %cond3A_57 {
        %gt3A = arith.constant 0 : i32
        %gt3A_387 = arith.cmpi sgt, %add3A_47, %gt3A : i32
        %convert_element_type3A_388 = arith.extui %gt3A_387 : i1 to i32
        %cond3A_389 = arith.constant 0 : i32
        %cond3A_390 = arith.cmpi ne, %convert_element_type3A_388, %cond3A_389 : i32
        scf.if %cond3A_390 {
          %sub3A_401 = arith.constant 1 : i32
          %sub3A_402 = arith.subi %add3A_47, %sub3A_401 : i32
          %mul3A_403 = arith.constant 4 : i32
          %mul3A_404 = arith.muli %sub3A_402, %mul3A_403 : i32
          %add3A_405 = arith.addi %mul3A_2, %mul3A_404 : i32
          %dma_wait3A_406 = arith.constant 0 : i32
          %dma_wait3A_407 = tpu.memref_slice %arg5[%add3A_405, %dma_wait3A_406] : memref<16384x8192xf32, #tpu.memory_space<hbm>> -> memref<4x8192xf32, #tpu.memory_space<hbm>>
          %dma_wait3A_408 = arith.constant 0 : i32
          %dma_wait3A_409 = tpu.memref_slice %arg5[%add3A_405, %dma_wait3A_408] : memref<16384x8192xf32, #tpu.memory_space<hbm>> -> memref<4x8192xf32, #tpu.memory_space<hbm>>
          tpu.wait_dma2 semaphore(%arg18 : memref<!tpu.dma_semaphore, #tpu.memory_space<semaphore_mem>>) src(%arg12 : memref<4x8192xf32, #tpu.memory_space<vmem>>) dst(%dma_wait3A_409 : memref<4x8192xf32, #tpu.memory_space<hbm>>)
        } else {
        }
        %add3A_391 = arith.constant 3 : i32
        %add3A_392 = arith.addi %add3A_47, %add3A_391 : i32
        %sub3A_393 = arith.constant 1 : i32
        %sub3A_394 = arith.subi %add3A_392, %sub3A_393 : i32
        %dma_start3A_395 = arith.constant 0 : i32
        %dma_start3A_396 = tpu.memref_slice %arg7[%sub3A_394, %dma_start3A_395] : memref<128x4xi32, #tpu.memory_space<vmem>> -> memref<1x4xi32, #tpu.memory_space<vmem>>
        %dma_start3A_397 = tpu.memref_squeeze %dma_start3A_396 : memref<1x4xi32, #tpu.memory_space<vmem>> -> memref<4xi32, #tpu.memory_space<vmem>>
        %dma_start3A_398 = arith.constant 0 : i32
        %dma_start3A_399 = arith.constant 0 : i32
        %dma_start3A_400 = tpu.memref_slice %arg2[%dma_start3A_398, %dma_start3A_399] : memref<8192x8192xf32, #tpu.memory_space<hbm>> -> memref<8192x8192xf32, #tpu.memory_space<hbm>>
        tpu.enqueue_indirect_dma source(%dma_start3A_400 : memref<8192x8192xf32, #tpu.memory_space<hbm>>) target(%arg12 : memref<4x8192xf32, #tpu.memory_space<vmem>>) offsets(%dma_start3A_397 : memref<4xi32, #tpu.memory_space<vmem>>) semaphore(%arg15 : memref<!tpu.dma_semaphore, #tpu.memory_space<semaphore_mem>>)
      } else {
      }
      %mul3A_58 = arith.constant 8 : i32
      %mul3A_59 = arith.muli %add3A_47, %mul3A_58 : i32
      %get3A = arith.index_cast %mul3A_59 : i32 to index
      %get3A_60 = tpu.vector_load %arg8[%get3A] {strides = array<i32>} : memref<1088xi32, #tpu.memory_space<vmem>>, vector<16xi32>,
      %get3A_61 = vector.shape_cast %get3A_60 : vector<16xi32> to vector<16xi32>
      %broadcast_in_dim3A_62 = arith.constant 0.000000e+00 : f32
      %broadcast_in_dim3A_63 = vector.broadcast %broadcast_in_dim3A_62 : f32 to vector<16xf32>
      %slice3A = vector.extract_strided_slice %get3A_61 {offsets = [0], sizes = [1], strides = [1]} : vector<16xi32> to vector<1xi32>
      %squeeze3A = vector.extract %slice3A[0] : i32 from vector<1xi32>
      %and3A = arith.constant 8191 : i32
      %and3A_64 = arith.andi %squeeze3A, %and3A : i32
      %shift_right_arithmetic3A = arith.constant 4 : i32
      %shift_right_arithmetic3A_65 = arith.shrsi %and3A_64, %shift_right_arithmetic3A : i32
      %shift_left3A = arith.constant 4 : i32
      %shift_left3A_66 = arith.shli %shift_right_arithmetic3A_65, %shift_left3A : i32
      %multiple_of3A = tpu.assume_multiple %shift_left3A_66, 16 : i32
      %and3A_67 = arith.constant 15 : i32
      %and3A_68 = arith.andi %and3A_64, %and3A_67 : i32
      %get3A_69 = arith.constant 0 : i32
      %get3A_70 = arith.index_cast %get3A_69 : i32 to index
      %get3A_71 = arith.index_cast %multiple_of3A : i32 to index
      %get3A_72 = tpu.vector_load %arg10[%get3A_70, %get3A_71] {strides = array<i32>} : memref<4x8192xf32, #tpu.memory_space<vmem>>, vector<1x16xf32>,
      %get3A_73 = vector.shape_cast %get3A_72 : vector<1x16xf32> to vector<16xf32>
      %eq3A = vector.broadcast %and3A_68 : i32 to vector<16xi32>
      %eq3A_74 = arith.cmpi eq, %iota3A, %eq3A : vector<16xi32>
      %jit3A = arith.constant 0.000000e+00 : f32
      %broadcast_in_dim3A_75 = vector.broadcast %jit3A : f32 to vector<16xf32>
      %select_n3A = arith.select %eq3A_74, %get3A_73, %broadcast_in_dim3A_75 : vector<16xi1>, vector<16xf32>
      %add3A_76 = arith.addf %broadcast_in_dim3A_63, %select_n3A : vector<16xf32>
      %slice3A_77 = vector.extract_strided_slice %get3A_61 {offsets = [1], sizes = [1], strides = [1]} : vector<16xi32> to vector<1xi32>
      %squeeze3A_78 = vector.extract %slice3A_77[0] : i32 from vector<1xi32>
      %and3A_79 = arith.constant 8191 : i32
      %and3A_80 = arith.andi %squeeze3A_78, %and3A_79 : i32
      %shift_right_arithmetic3A_81 = arith.constant 4 : i32
      %shift_right_arithmetic3A_82 = arith.shrsi %and3A_80, %shift_right_arithmetic3A_81 : i32
      %shift_left3A_83 = arith.constant 4 : i32
      %shift_left3A_84 = arith.shli %shift_right_arithmetic3A_82, %shift_left3A_83 : i32
      %multiple_of3A_85 = tpu.assume_multiple %shift_left3A_84, 16 : i32
      %and3A_86 = arith.constant 15 : i32
      %and3A_87 = arith.andi %and3A_80, %and3A_86 : i32
      %get3A_88 = arith.constant 1 : i32
      %get3A_89 = arith.index_cast %get3A_88 : i32 to index
      %get3A_90 = arith.index_cast %multiple_of3A_85 : i32 to index
      %get3A_91 = tpu.vector_load %arg10[%get3A_89, %get3A_90] {strides = array<i32>} : memref<4x8192xf32, #tpu.memory_space<vmem>>, vector<1x16xf32>,
      %get3A_92 = vector.shape_cast %get3A_91 : vector<1x16xf32> to vector<16xf32>
      %eq3A_93 = vector.broadcast %and3A_87 : i32 to vector<16xi32>
      %eq3A_94 = arith.cmpi eq, %iota3A, %eq3A_93 : vector<16xi32>
      %jit3A_95 = arith.constant 0.000000e+00 : f32
      %broadcast_in_dim3A_96 = vector.broadcast %jit3A_95 : f32 to vector<16xf32>
      %select_n3A_97 = arith.select %eq3A_94, %get3A_92, %broadcast_in_dim3A_96 : vector<16xi1>, vector<16xf32>
      %add3A_98 = arith.addf %add3A_76, %select_n3A_97 : vector<16xf32>
      %slice3A_99 = vector.extract_strided_slice %get3A_61 {offsets = [2], sizes = [1], strides = [1]} : vector<16xi32> to vector<1xi32>
      %squeeze3A_100 = vector.extract %slice3A_99[0] : i32 from vector<1xi32>
      %and3A_101 = arith.constant 8191 : i32
      %and3A_102 = arith.andi %squeeze3A_100, %and3A_101 : i32
      %shift_right_arithmetic3A_103 = arith.constant 4 : i32
      %shift_right_arithmetic3A_104 = arith.shrsi %and3A_102, %shift_right_arithmetic3A_103 : i32
      %shift_left3A_105 = arith.constant 4 : i32
      %shift_left3A_106 = arith.shli %shift_right_arithmetic3A_104, %shift_left3A_105 : i32
      %multiple_of3A_107 = tpu.assume_multiple %shift_left3A_106, 16 : i32
      %and3A_108 = arith.constant 15 : i32
      %and3A_109 = arith.andi %and3A_102, %and3A_108 : i32
      %get3A_110 = arith.constant 2 : i32
      %get3A_111 = arith.index_cast %get3A_110 : i32 to index
      %get3A_112 = arith.index_cast %multiple_of3A_107 : i32 to index
      %get3A_113 = tpu.vector_load %arg10[%get3A_111, %get3A_112] {strides = array<i32>} : memref<4x8192xf32, #tpu.memory_space<vmem>>, vector<1x16xf32>,
      %get3A_114 = vector.shape_cast %get3A_113 : vector<1x16xf32> to vector<16xf32>
      %eq3A_115 = vector.broadcast %and3A_109 : i32 to vector<16xi32>
      %eq3A_116 = arith.cmpi eq, %iota3A, %eq3A_115 : vector<16xi32>
      %jit3A_117 = arith.constant 0.000000e+00 : f32
      %broadcast_in_dim3A_118 = vector.broadcast %jit3A_117 : f32 to vector<16xf32>
      %select_n3A_119 = arith.select %eq3A_116, %get3A_114, %broadcast_in_dim3A_118 : vector<16xi1>, vector<16xf32>
      %add3A_120 = arith.addf %add3A_98, %select_n3A_119 : vector<16xf32>
      %slice3A_121 = vector.extract_strided_slice %get3A_61 {offsets = [3], sizes = [1], strides = [1]} : vector<16xi32> to vector<1xi32>
      %squeeze3A_122 = vector.extract %slice3A_121[0] : i32 from vector<1xi32>
      %and3A_123 = arith.constant 8191 : i32
      %and3A_124 = arith.andi %squeeze3A_122, %and3A_123 : i32
      %shift_right_arithmetic3A_125 = arith.constant 4 : i32
      %shift_right_arithmetic3A_126 = arith.shrsi %and3A_124, %shift_right_arithmetic3A_125 : i32
      %shift_left3A_127 = arith.constant 4 : i32
      %shift_left3A_128 = arith.shli %shift_right_arithmetic3A_126, %shift_left3A_127 : i32
      %multiple_of3A_129 = tpu.assume_multiple %shift_left3A_128, 16 : i32
      %and3A_130 = arith.constant 15 : i32
      %and3A_131 = arith.andi %and3A_124, %and3A_130 : i32
      %get3A_132 = arith.constant 3 : i32
      %get3A_133 = arith.index_cast %get3A_132 : i32 to index
      %get3A_134 = arith.index_cast %multiple_of3A_129 : i32 to index
      %get3A_135 = tpu.vector_load %arg10[%get3A_133, %get3A_134] {strides = array<i32>} : memref<4x8192xf32, #tpu.memory_space<vmem>>, vector<1x16xf32>,
      %get3A_136 = vector.shape_cast %get3A_135 : vector<1x16xf32> to vector<16xf32>
      %eq3A_137 = vector.broadcast %and3A_131 : i32 to vector<16xi32>
      %eq3A_138 = arith.cmpi eq, %iota3A, %eq3A_137 : vector<16xi32>
      %jit3A_139 = arith.constant 0.000000e+00 : f32
      %broadcast_in_dim3A_140 = vector.broadcast %jit3A_139 : f32 to vector<16xf32>
      %select_n3A_141 = arith.select %eq3A_138, %get3A_136, %broadcast_in_dim3A_140 : vector<16xi1>, vector<16xf32>
      %add3A_142 = arith.addf %add3A_120, %select_n3A_141 : vector<16xf32>
      %lt3A_143 = arith.constant 128 : i32
      %lt3A_144 = arith.cmpi slt, %add3A_47, %lt3A_143 : i32
      %jit3A_145 = arith.constant 0.000000e+00 : f32
      %broadcast_in_dim3A_146 = vector.broadcast %jit3A_145 : f32 to vector<16xf32>
      %select_n3A_147 = arith.select %lt3A_144, %add3A_142, %broadcast_in_dim3A_146 : vector<16xf32>
      %add3A_148 = arith.addf %scan3A_43, %select_n3A_147 : vector<16xf32>
      %mul3A_149 = arith.constant 3 : i32
      %mul3A_150 = arith.muli %mul3A_149, %scan3A_42 : i32
      %add3A_151 = arith.constant 1 : i32
      %add3A_152 = arith.addi %mul3A_150, %add3A_151 : i32
      %lt3A_153 = arith.constant 128 : i32
      %lt3A_154 = arith.cmpi slt, %add3A_152, %lt3A_153 : i32
      %convert_element_type3A_155 = arith.extui %lt3A_154 : i1 to i32
      %cond3A_156 = arith.constant 0 : i32
      %cond3A_157 = arith.cmpi ne, %convert_element_type3A_155, %cond3A_156 : i32
      scf.if %cond3A_157 {
        %dma_wait3A_387 = arith.constant 0 : i32
        %dma_wait3A_388 = tpu.memref_slice %arg7[%add3A_152, %dma_wait3A_387] : memref<128x4xi32, #tpu.memory_space<vmem>> -> memref<1x4xi32, #tpu.memory_space<vmem>>
        %dma_wait3A_389 = tpu.memref_squeeze %dma_wait3A_388 : memref<1x4xi32, #tpu.memory_space<vmem>> -> memref<4xi32, #tpu.memory_space<vmem>>
        %dma_wait3A_390 = arith.constant 0 : i32
        %dma_wait3A_391 = arith.constant 0 : i32
        %dma_wait3A_392 = tpu.memref_slice %arg2[%dma_wait3A_390, %dma_wait3A_391] : memref<8192x8192xf32, #tpu.memory_space<hbm>> -> memref<8192x8192xf32, #tpu.memory_space<hbm>>
        tpu.wait_indirect_dma semaphore(%arg14 : memref<!tpu.dma_semaphore, #tpu.memory_space<semaphore_mem>>) src(%dma_wait3A_392 : memref<8192x8192xf32, #tpu.memory_space<hbm>>) dst(%arg11 : memref<4x8192xf32, #tpu.memory_space<vmem>>)
        %mul3A_393 = arith.constant 4 : i32
        %mul3A_394 = arith.muli %add3A_152, %mul3A_393 : i32
        %add3A_395 = arith.addi %mul3A_2, %mul3A_394 : i32
        %dma_start3A_396 = arith.constant 0 : i32
        %dma_start3A_397 = tpu.memref_slice %arg5[%add3A_395, %dma_start3A_396] : memref<16384x8192xf32, #tpu.memory_space<hbm>> -> memref<4x8192xf32, #tpu.memory_space<hbm>>
        %dma_start3A_398 = arith.constant 0 : i32
        %dma_start3A_399 = tpu.memref_slice %arg5[%add3A_395, %dma_start3A_398] : memref<16384x8192xf32, #tpu.memory_space<hbm>> -> memref<4x8192xf32, #tpu.memory_space<hbm>>
        tpu.enqueue_dma source(%arg11 : memref<4x8192xf32, #tpu.memory_space<vmem>>) target(%dma_start3A_399 : memref<4x8192xf32, #tpu.memory_space<hbm>>) target_semaphore(%arg17 : memref<!tpu.dma_semaphore, #tpu.memory_space<semaphore_mem>>)
      } else {
      }
      %add3A_158 = arith.constant 3 : i32
      %add3A_159 = arith.addi %add3A_152, %add3A_158 : i32
      %sub3A_160 = arith.constant 1 : i32
      %sub3A_161 = arith.subi %add3A_159, %sub3A_160 : i32
      %lt3A_162 = arith.constant 128 : i32
      %lt3A_163 = arith.cmpi slt, %sub3A_161, %lt3A_162 : i32
      %convert_element_type3A_164 = arith.extui %lt3A_163 : i1 to i32
      %cond3A_165 = arith.constant 0 : i32
      %cond3A_166 = arith.cmpi ne, %convert_element_type3A_164, %cond3A_165 : i32
      scf.if %cond3A_166 {
        %gt3A = arith.constant 0 : i32
        %gt3A_387 = arith.cmpi sgt, %add3A_152, %gt3A : i32
        %convert_element_type3A_388 = arith.extui %gt3A_387 : i1 to i32
        %cond3A_389 = arith.constant 0 : i32
        %cond3A_390 = arith.cmpi ne, %convert_element_type3A_388, %cond3A_389 : i32
        scf.if %cond3A_390 {
          %sub3A_401 = arith.constant 1 : i32
          %sub3A_402 = arith.subi %add3A_152, %sub3A_401 : i32
          %mul3A_403 = arith.constant 4 : i32
          %mul3A_404 = arith.muli %sub3A_402, %mul3A_403 : i32
          %add3A_405 = arith.addi %mul3A_2, %mul3A_404 : i32
          %dma_wait3A_406 = arith.constant 0 : i32
          %dma_wait3A_407 = tpu.memref_slice %arg5[%add3A_405, %dma_wait3A_406] : memref<16384x8192xf32, #tpu.memory_space<hbm>> -> memref<4x8192xf32, #tpu.memory_space<hbm>>
          %dma_wait3A_408 = arith.constant 0 : i32
          %dma_wait3A_409 = tpu.memref_slice %arg5[%add3A_405, %dma_wait3A_408] : memref<16384x8192xf32, #tpu.memory_space<hbm>> -> memref<4x8192xf32, #tpu.memory_space<hbm>>
          tpu.wait_dma2 semaphore(%arg16 : memref<!tpu.dma_semaphore, #tpu.memory_space<semaphore_mem>>) src(%arg10 : memref<4x8192xf32, #tpu.memory_space<vmem>>) dst(%dma_wait3A_409 : memref<4x8192xf32, #tpu.memory_space<hbm>>)
        } else {
        }
        %add3A_391 = arith.constant 3 : i32
        %add3A_392 = arith.addi %add3A_152, %add3A_391 : i32
        %sub3A_393 = arith.constant 1 : i32
        %sub3A_394 = arith.subi %add3A_392, %sub3A_393 : i32
        %dma_start3A_395 = arith.constant 0 : i32
        %dma_start3A_396 = tpu.memref_slice %arg7[%sub3A_394, %dma_start3A_395] : memref<128x4xi32, #tpu.memory_space<vmem>> -> memref<1x4xi32, #tpu.memory_space<vmem>>
        %dma_start3A_397 = tpu.memref_squeeze %dma_start3A_396 : memref<1x4xi32, #tpu.memory_space<vmem>> -> memref<4xi32, #tpu.memory_space<vmem>>
        %dma_start3A_398 = arith.constant 0 : i32
        %dma_start3A_399 = arith.constant 0 : i32
        %dma_start3A_400 = tpu.memref_slice %arg2[%dma_start3A_398, %dma_start3A_399] : memref<8192x8192xf32, #tpu.memory_space<hbm>> -> memref<8192x8192xf32, #tpu.memory_space<hbm>>
        tpu.enqueue_indirect_dma source(%dma_start3A_400 : memref<8192x8192xf32, #tpu.memory_space<hbm>>) target(%arg10 : memref<4x8192xf32, #tpu.memory_space<vmem>>) offsets(%dma_start3A_397 : memref<4xi32, #tpu.memory_space<vmem>>) semaphore(%arg13 : memref<!tpu.dma_semaphore, #tpu.memory_space<semaphore_mem>>)
      } else {
      }
      %mul3A_167 = arith.constant 8 : i32
      %mul3A_168 = arith.muli %add3A_152, %mul3A_167 : i32
      %get3A_169 = arith.index_cast %mul3A_168 : i32 to index
      %get3A_170 = tpu.vector_load %arg8[%get3A_169] {strides = array<i32>} : memref<1088xi32, #tpu.memory_space<vmem>>, vector<16xi32>,
      %get3A_171 = vector.shape_cast %get3A_170 : vector<16xi32> to vector<16xi32>
      %broadcast_in_dim3A_172 = arith.constant 0.000000e+00 : f32
      %broadcast_in_dim3A_173 = vector.broadcast %broadcast_in_dim3A_172 : f32 to vector<16xf32>
      %slice3A_174 = vector.extract_strided_slice %get3A_171 {offsets = [0], sizes = [1], strides = [1]} : vector<16xi32> to vector<1xi32>
      %squeeze3A_175 = vector.extract %slice3A_174[0] : i32 from vector<1xi32>
      %and3A_176 = arith.constant 8191 : i32
      %and3A_177 = arith.andi %squeeze3A_175, %and3A_176 : i32
      %shift_right_arithmetic3A_178 = arith.constant 4 : i32
      %shift_right_arithmetic3A_179 = arith.shrsi %and3A_177, %shift_right_arithmetic3A_178 : i32
      %shift_left3A_180 = arith.constant 4 : i32
      %shift_left3A_181 = arith.shli %shift_right_arithmetic3A_179, %shift_left3A_180 : i32
      %multiple_of3A_182 = tpu.assume_multiple %shift_left3A_181, 16 : i32
      %and3A_183 = arith.constant 15 : i32
      %and3A_184 = arith.andi %and3A_177, %and3A_183 : i32
      %get3A_185 = arith.constant 0 : i32
      %get3A_186 = arith.index_cast %get3A_185 : i32 to index
      %get3A_187 = arith.index_cast %multiple_of3A_182 : i32 to index
      %get3A_188 = tpu.vector_load %arg11[%get3A_186, %get3A_187] {strides = array<i32>} : memref<4x8192xf32, #tpu.memory_space<vmem>>, vector<1x16xf32>,
      %get3A_189 = vector.shape_cast %get3A_188 : vector<1x16xf32> to vector<16xf32>
      %eq3A_190 = vector.broadcast %and3A_184 : i32 to vector<16xi32>
      %eq3A_191 = arith.cmpi eq, %iota3A, %eq3A_190 : vector<16xi32>
      %jit3A_192 = arith.constant 0.000000e+00 : f32
      %broadcast_in_dim3A_193 = vector.broadcast %jit3A_192 : f32 to vector<16xf32>
      %select_n3A_194 = arith.select %eq3A_191, %get3A_189, %broadcast_in_dim3A_193 : vector<16xi1>, vector<16xf32>
      %add3A_195 = arith.addf %broadcast_in_dim3A_173, %select_n3A_194 : vector<16xf32>
      %slice3A_196 = vector.extract_strided_slice %get3A_171 {offsets = [1], sizes = [1], strides = [1]} : vector<16xi32> to vector<1xi32>
      %squeeze3A_197 = vector.extract %slice3A_196[0] : i32 from vector<1xi32>
      %and3A_198 = arith.constant 8191 : i32
      %and3A_199 = arith.andi %squeeze3A_197, %and3A_198 : i32
      %shift_right_arithmetic3A_200 = arith.constant 4 : i32
      %shift_right_arithmetic3A_201 = arith.shrsi %and3A_199, %shift_right_arithmetic3A_200 : i32
      %shift_left3A_202 = arith.constant 4 : i32
      %shift_left3A_203 = arith.shli %shift_right_arithmetic3A_201, %shift_left3A_202 : i32
      %multiple_of3A_204 = tpu.assume_multiple %shift_left3A_203, 16 : i32
      %and3A_205 = arith.constant 15 : i32
      %and3A_206 = arith.andi %and3A_199, %and3A_205 : i32
      %get3A_207 = arith.constant 1 : i32
      %get3A_208 = arith.index_cast %get3A_207 : i32 to index
      %get3A_209 = arith.index_cast %multiple_of3A_204 : i32 to index
      %get3A_210 = tpu.vector_load %arg11[%get3A_208, %get3A_209] {strides = array<i32>} : memref<4x8192xf32, #tpu.memory_space<vmem>>, vector<1x16xf32>,
      %get3A_211 = vector.shape_cast %get3A_210 : vector<1x16xf32> to vector<16xf32>
      %eq3A_212 = vector.broadcast %and3A_206 : i32 to vector<16xi32>
      %eq3A_213 = arith.cmpi eq, %iota3A, %eq3A_212 : vector<16xi32>
      %jit3A_214 = arith.constant 0.000000e+00 : f32
      %broadcast_in_dim3A_215 = vector.broadcast %jit3A_214 : f32 to vector<16xf32>
      %select_n3A_216 = arith.select %eq3A_213, %get3A_211, %broadcast_in_dim3A_215 : vector<16xi1>, vector<16xf32>
      %add3A_217 = arith.addf %add3A_195, %select_n3A_216 : vector<16xf32>
      %slice3A_218 = vector.extract_strided_slice %get3A_171 {offsets = [2], sizes = [1], strides = [1]} : vector<16xi32> to vector<1xi32>
      %squeeze3A_219 = vector.extract %slice3A_218[0] : i32 from vector<1xi32>
      %and3A_220 = arith.constant 8191 : i32
      %and3A_221 = arith.andi %squeeze3A_219, %and3A_220 : i32
      %shift_right_arithmetic3A_222 = arith.constant 4 : i32
      %shift_right_arithmetic3A_223 = arith.shrsi %and3A_221, %shift_right_arithmetic3A_222 : i32
      %shift_left3A_224 = arith.constant 4 : i32
      %shift_left3A_225 = arith.shli %shift_right_arithmetic3A_223, %shift_left3A_224 : i32
      %multiple_of3A_226 = tpu.assume_multiple %shift_left3A_225, 16 : i32
      %and3A_227 = arith.constant 15 : i32
      %and3A_228 = arith.andi %and3A_221, %and3A_227 : i32
      %get3A_229 = arith.constant 2 : i32
      %get3A_230 = arith.index_cast %get3A_229 : i32 to index
      %get3A_231 = arith.index_cast %multiple_of3A_226 : i32 to index
      %get3A_232 = tpu.vector_load %arg11[%get3A_230, %get3A_231] {strides = array<i32>} : memref<4x8192xf32, #tpu.memory_space<vmem>>, vector<1x16xf32>,
      %get3A_233 = vector.shape_cast %get3A_232 : vector<1x16xf32> to vector<16xf32>
      %eq3A_234 = vector.broadcast %and3A_228 : i32 to vector<16xi32>
      %eq3A_235 = arith.cmpi eq, %iota3A, %eq3A_234 : vector<16xi32>
      %jit3A_236 = arith.constant 0.000000e+00 : f32
      %broadcast_in_dim3A_237 = vector.broadcast %jit3A_236 : f32 to vector<16xf32>
      %select_n3A_238 = arith.select %eq3A_235, %get3A_233, %broadcast_in_dim3A_237 : vector<16xi1>, vector<16xf32>
      %add3A_239 = arith.addf %add3A_217, %select_n3A_238 : vector<16xf32>
      %slice3A_240 = vector.extract_strided_slice %get3A_171 {offsets = [3], sizes = [1], strides = [1]} : vector<16xi32> to vector<1xi32>
      %squeeze3A_241 = vector.extract %slice3A_240[0] : i32 from vector<1xi32>
      %and3A_242 = arith.constant 8191 : i32
      %and3A_243 = arith.andi %squeeze3A_241, %and3A_242 : i32
      %shift_right_arithmetic3A_244 = arith.constant 4 : i32
      %shift_right_arithmetic3A_245 = arith.shrsi %and3A_243, %shift_right_arithmetic3A_244 : i32
      %shift_left3A_246 = arith.constant 4 : i32
      %shift_left3A_247 = arith.shli %shift_right_arithmetic3A_245, %shift_left3A_246 : i32
      %multiple_of3A_248 = tpu.assume_multiple %shift_left3A_247, 16 : i32
      %and3A_249 = arith.constant 15 : i32
      %and3A_250 = arith.andi %and3A_243, %and3A_249 : i32
      %get3A_251 = arith.constant 3 : i32
      %get3A_252 = arith.index_cast %get3A_251 : i32 to index
      %get3A_253 = arith.index_cast %multiple_of3A_248 : i32 to index
      %get3A_254 = tpu.vector_load %arg11[%get3A_252, %get3A_253] {strides = array<i32>} : memref<4x8192xf32, #tpu.memory_space<vmem>>, vector<1x16xf32>,
      %get3A_255 = vector.shape_cast %get3A_254 : vector<1x16xf32> to vector<16xf32>
      %eq3A_256 = vector.broadcast %and3A_250 : i32 to vector<16xi32>
      %eq3A_257 = arith.cmpi eq, %iota3A, %eq3A_256 : vector<16xi32>
      %jit3A_258 = arith.constant 0.000000e+00 : f32
      %broadcast_in_dim3A_259 = vector.broadcast %jit3A_258 : f32 to vector<16xf32>
      %select_n3A_260 = arith.select %eq3A_257, %get3A_255, %broadcast_in_dim3A_259 : vector<16xi1>, vector<16xf32>
      %add3A_261 = arith.addf %add3A_239, %select_n3A_260 : vector<16xf32>
      %lt3A_262 = arith.constant 128 : i32
      %lt3A_263 = arith.cmpi slt, %add3A_152, %lt3A_262 : i32
      %jit3A_264 = arith.constant 0.000000e+00 : f32
      %broadcast_in_dim3A_265 = vector.broadcast %jit3A_264 : f32 to vector<16xf32>
      %select_n3A_266 = arith.select %lt3A_263, %add3A_261, %broadcast_in_dim3A_265 : vector<16xf32>
      %add3A_267 = arith.addf %add3A_148, %select_n3A_266 : vector<16xf32>
      %mul3A_268 = arith.constant 3 : i32
      %mul3A_269 = arith.muli %mul3A_268, %scan3A_42 : i32
      %add3A_270 = arith.constant 2 : i32
      %add3A_271 = arith.addi %mul3A_269, %add3A_270 : i32
      %lt3A_272 = arith.constant 128 : i32
      %lt3A_273 = arith.cmpi slt, %add3A_271, %lt3A_272 : i32
      %convert_element_type3A_274 = arith.extui %lt3A_273 : i1 to i32
      %cond3A_275 = arith.constant 0 : i32
      %cond3A_276 = arith.cmpi ne, %convert_element_type3A_274, %cond3A_275 : i32
      scf.if %cond3A_276 {
        %dma_wait3A_387 = arith.constant 0 : i32
        %dma_wait3A_388 = tpu.memref_slice %arg7[%add3A_271, %dma_wait3A_387] : memref<128x4xi32, #tpu.memory_space<vmem>> -> memref<1x4xi32, #tpu.memory_space<vmem>>
        %dma_wait3A_389 = tpu.memref_squeeze %dma_wait3A_388 : memref<1x4xi32, #tpu.memory_space<vmem>> -> memref<4xi32, #tpu.memory_space<vmem>>
        %dma_wait3A_390 = arith.constant 0 : i32
        %dma_wait3A_391 = arith.constant 0 : i32
        %dma_wait3A_392 = tpu.memref_slice %arg2[%dma_wait3A_390, %dma_wait3A_391] : memref<8192x8192xf32, #tpu.memory_space<hbm>> -> memref<8192x8192xf32, #tpu.memory_space<hbm>>
        tpu.wait_indirect_dma semaphore(%arg15 : memref<!tpu.dma_semaphore, #tpu.memory_space<semaphore_mem>>) src(%dma_wait3A_392 : memref<8192x8192xf32, #tpu.memory_space<hbm>>) dst(%arg12 : memref<4x8192xf32, #tpu.memory_space<vmem>>)
        %mul3A_393 = arith.constant 4 : i32
        %mul3A_394 = arith.muli %add3A_271, %mul3A_393 : i32
        %add3A_395 = arith.addi %mul3A_2, %mul3A_394 : i32
        %dma_start3A_396 = arith.constant 0 : i32
        %dma_start3A_397 = tpu.memref_slice %arg5[%add3A_395, %dma_start3A_396] : memref<16384x8192xf32, #tpu.memory_space<hbm>> -> memref<4x8192xf32, #tpu.memory_space<hbm>>
        %dma_start3A_398 = arith.constant 0 : i32
        %dma_start3A_399 = tpu.memref_slice %arg5[%add3A_395, %dma_start3A_398] : memref<16384x8192xf32, #tpu.memory_space<hbm>> -> memref<4x8192xf32, #tpu.memory_space<hbm>>
        tpu.enqueue_dma source(%arg12 : memref<4x8192xf32, #tpu.memory_space<vmem>>) target(%dma_start3A_399 : memref<4x8192xf32, #tpu.memory_space<hbm>>) target_semaphore(%arg18 : memref<!tpu.dma_semaphore, #tpu.memory_space<semaphore_mem>>)
      } else {
      }
      %add3A_277 = arith.constant 3 : i32
      %add3A_278 = arith.addi %add3A_271, %add3A_277 : i32
      %sub3A_279 = arith.constant 1 : i32
      %sub3A_280 = arith.subi %add3A_278, %sub3A_279 : i32
      %lt3A_281 = arith.constant 128 : i32
      %lt3A_282 = arith.cmpi slt, %sub3A_280, %lt3A_281 : i32
      %convert_element_type3A_283 = arith.extui %lt3A_282 : i1 to i32
      %cond3A_284 = arith.constant 0 : i32
      %cond3A_285 = arith.cmpi ne, %convert_element_type3A_283, %cond3A_284 : i32
      scf.if %cond3A_285 {
        %gt3A = arith.constant 0 : i32
        %gt3A_387 = arith.cmpi sgt, %add3A_271, %gt3A : i32
        %convert_element_type3A_388 = arith.extui %gt3A_387 : i1 to i32
        %cond3A_389 = arith.constant 0 : i32
        %cond3A_390 = arith.cmpi ne, %convert_element_type3A_388, %cond3A_389 : i32
        scf.if %cond3A_390 {
          %sub3A_401 = arith.constant 1 : i32
          %sub3A_402 = arith.subi %add3A_271, %sub3A_401 : i32
          %mul3A_403 = arith.constant 4 : i32
          %mul3A_404 = arith.muli %sub3A_402, %mul3A_403 : i32
          %add3A_405 = arith.addi %mul3A_2, %mul3A_404 : i32
          %dma_wait3A_406 = arith.constant 0 : i32
          %dma_wait3A_407 = tpu.memref_slice %arg5[%add3A_405, %dma_wait3A_406] : memref<16384x8192xf32, #tpu.memory_space<hbm>> -> memref<4x8192xf32, #tpu.memory_space<hbm>>
          %dma_wait3A_408 = arith.constant 0 : i32
          %dma_wait3A_409 = tpu.memref_slice %arg5[%add3A_405, %dma_wait3A_408] : memref<16384x8192xf32, #tpu.memory_space<hbm>> -> memref<4x8192xf32, #tpu.memory_space<hbm>>
          tpu.wait_dma2 semaphore(%arg17 : memref<!tpu.dma_semaphore, #tpu.memory_space<semaphore_mem>>) src(%arg11 : memref<4x8192xf32, #tpu.memory_space<vmem>>) dst(%dma_wait3A_409 : memref<4x8192xf32, #tpu.memory_space<hbm>>)
        } else {
        }
        %add3A_391 = arith.constant 3 : i32
        %add3A_392 = arith.addi %add3A_271, %add3A_391 : i32
        %sub3A_393 = arith.constant 1 : i32
        %sub3A_394 = arith.subi %add3A_392, %sub3A_393 : i32
        %dma_start3A_395 = arith.constant 0 : i32
        %dma_start3A_396 = tpu.memref_slice %arg7[%sub3A_394, %dma_start3A_395] : memref<128x4xi32, #tpu.memory_space<vmem>> -> memref<1x4xi32, #tpu.memory_space<vmem>>
        %dma_start3A_397 = tpu.memref_squeeze %dma_start3A_396 : memref<1x4xi32, #tpu.memory_space<vmem>> -> memref<4xi32, #tpu.memory_space<vmem>>
        %dma_start3A_398 = arith.constant 0 : i32
        %dma_start3A_399 = arith.constant 0 : i32
        %dma_start3A_400 = tpu.memref_slice %arg2[%dma_start3A_398, %dma_start3A_399] : memref<8192x8192xf32, #tpu.memory_space<hbm>> -> memref<8192x8192xf32, #tpu.memory_space<hbm>>
        tpu.enqueue_indirect_dma source(%dma_start3A_400 : memref<8192x8192xf32, #tpu.memory_space<hbm>>) target(%arg11 : memref<4x8192xf32, #tpu.memory_space<vmem>>) offsets(%dma_start3A_397 : memref<4xi32, #tpu.memory_space<vmem>>) semaphore(%arg14 : memref<!tpu.dma_semaphore, #tpu.memory_space<semaphore_mem>>)
      } else {
      }
      %mul3A_286 = arith.constant 8 : i32
      %mul3A_287 = arith.muli %add3A_271, %mul3A_286 : i32
      %get3A_288 = arith.index_cast %mul3A_287 : i32 to index
      %get3A_289 = tpu.vector_load %arg8[%get3A_288] {strides = array<i32>} : memref<1088xi32, #tpu.memory_space<vmem>>, vector<16xi32>,
      %get3A_290 = vector.shape_cast %get3A_289 : vector<16xi32> to vector<16xi32>
      %broadcast_in_dim3A_291 = arith.constant 0.000000e+00 : f32
      %broadcast_in_dim3A_292 = vector.broadcast %broadcast_in_dim3A_291 : f32 to vector<16xf32>
      %slice3A_293 = vector.extract_strided_slice %get3A_290 {offsets = [0], sizes = [1], strides = [1]} : vector<16xi32> to vector<1xi32>
      %squeeze3A_294 = vector.extract %slice3A_293[0] : i32 from vector<1xi32>
      %and3A_295 = arith.constant 8191 : i32
      %and3A_296 = arith.andi %squeeze3A_294, %and3A_295 : i32
      %shift_right_arithmetic3A_297 = arith.constant 4 : i32
      %shift_right_arithmetic3A_298 = arith.shrsi %and3A_296, %shift_right_arithmetic3A_297 : i32
      %shift_left3A_299 = arith.constant 4 : i32
      %shift_left3A_300 = arith.shli %shift_right_arithmetic3A_298, %shift_left3A_299 : i32
      %multiple_of3A_301 = tpu.assume_multiple %shift_left3A_300, 16 : i32
      %and3A_302 = arith.constant 15 : i32
      %and3A_303 = arith.andi %and3A_296, %and3A_302 : i32
      %get3A_304 = arith.constant 0 : i32
      %get3A_305 = arith.index_cast %get3A_304 : i32 to index
      %get3A_306 = arith.index_cast %multiple_of3A_301 : i32 to index
      %get3A_307 = tpu.vector_load %arg12[%get3A_305, %get3A_306] {strides = array<i32>} : memref<4x8192xf32, #tpu.memory_space<vmem>>, vector<1x16xf32>,
      %get3A_308 = vector.shape_cast %get3A_307 : vector<1x16xf32> to vector<16xf32>
      %eq3A_309 = vector.broadcast %and3A_303 : i32 to vector<16xi32>
      %eq3A_310 = arith.cmpi eq, %iota3A, %eq3A_309 : vector<16xi32>
      %jit3A_311 = arith.constant 0.000000e+00 : f32
      %broadcast_in_dim3A_312 = vector.broadcast %jit3A_311 : f32 to vector<16xf32>
      %select_n3A_313 = arith.select %eq3A_310, %get3A_308, %broadcast_in_dim3A_312 : vector<16xi1>, vector<16xf32>
      %add3A_314 = arith.addf %broadcast_in_dim3A_292, %select_n3A_313 : vector<16xf32>
      %slice3A_315 = vector.extract_strided_slice %get3A_290 {offsets = [1], sizes = [1], strides = [1]} : vector<16xi32> to vector<1xi32>
      %squeeze3A_316 = vector.extract %slice3A_315[0] : i32 from vector<1xi32>
      %and3A_317 = arith.constant 8191 : i32
      %and3A_318 = arith.andi %squeeze3A_316, %and3A_317 : i32
      %shift_right_arithmetic3A_319 = arith.constant 4 : i32
      %shift_right_arithmetic3A_320 = arith.shrsi %and3A_318, %shift_right_arithmetic3A_319 : i32
      %shift_left3A_321 = arith.constant 4 : i32
      %shift_left3A_322 = arith.shli %shift_right_arithmetic3A_320, %shift_left3A_321 : i32
      %multiple_of3A_323 = tpu.assume_multiple %shift_left3A_322, 16 : i32
      %and3A_324 = arith.constant 15 : i32
      %and3A_325 = arith.andi %and3A_318, %and3A_324 : i32
      %get3A_326 = arith.constant 1 : i32
      %get3A_327 = arith.index_cast %get3A_326 : i32 to index
      %get3A_328 = arith.index_cast %multiple_of3A_323 : i32 to index
      %get3A_329 = tpu.vector_load %arg12[%get3A_327, %get3A_328] {strides = array<i32>} : memref<4x8192xf32, #tpu.memory_space<vmem>>, vector<1x16xf32>,
      %get3A_330 = vector.shape_cast %get3A_329 : vector<1x16xf32> to vector<16xf32>
      %eq3A_331 = vector.broadcast %and3A_325 : i32 to vector<16xi32>
      %eq3A_332 = arith.cmpi eq, %iota3A, %eq3A_331 : vector<16xi32>
      %jit3A_333 = arith.constant 0.000000e+00 : f32
      %broadcast_in_dim3A_334 = vector.broadcast %jit3A_333 : f32 to vector<16xf32>
      %select_n3A_335 = arith.select %eq3A_332, %get3A_330, %broadcast_in_dim3A_334 : vector<16xi1>, vector<16xf32>
      %add3A_336 = arith.addf %add3A_314, %select_n3A_335 : vector<16xf32>
      %slice3A_337 = vector.extract_strided_slice %get3A_290 {offsets = [2], sizes = [1], strides = [1]} : vector<16xi32> to vector<1xi32>
      %squeeze3A_338 = vector.extract %slice3A_337[0] : i32 from vector<1xi32>
      %and3A_339 = arith.constant 8191 : i32
      %and3A_340 = arith.andi %squeeze3A_338, %and3A_339 : i32
      %shift_right_arithmetic3A_341 = arith.constant 4 : i32
      %shift_right_arithmetic3A_342 = arith.shrsi %and3A_340, %shift_right_arithmetic3A_341 : i32
      %shift_left3A_343 = arith.constant 4 : i32
      %shift_left3A_344 = arith.shli %shift_right_arithmetic3A_342, %shift_left3A_343 : i32
      %multiple_of3A_345 = tpu.assume_multiple %shift_left3A_344, 16 : i32
      %and3A_346 = arith.constant 15 : i32
      %and3A_347 = arith.andi %and3A_340, %and3A_346 : i32
      %get3A_348 = arith.constant 2 : i32
      %get3A_349 = arith.index_cast %get3A_348 : i32 to index
      %get3A_350 = arith.index_cast %multiple_of3A_345 : i32 to index
      %get3A_351 = tpu.vector_load %arg12[%get3A_349, %get3A_350] {strides = array<i32>} : memref<4x8192xf32, #tpu.memory_space<vmem>>, vector<1x16xf32>,
      %get3A_352 = vector.shape_cast %get3A_351 : vector<1x16xf32> to vector<16xf32>
      %eq3A_353 = vector.broadcast %and3A_347 : i32 to vector<16xi32>
      %eq3A_354 = arith.cmpi eq, %iota3A, %eq3A_353 : vector<16xi32>
      %jit3A_355 = arith.constant 0.000000e+00 : f32
      %broadcast_in_dim3A_356 = vector.broadcast %jit3A_355 : f32 to vector<16xf32>
      %select_n3A_357 = arith.select %eq3A_354, %get3A_352, %broadcast_in_dim3A_356 : vector<16xi1>, vector<16xf32>
      %add3A_358 = arith.addf %add3A_336, %select_n3A_357 : vector<16xf32>
      %slice3A_359 = vector.extract_strided_slice %get3A_290 {offsets = [3], sizes = [1], strides = [1]} : vector<16xi32> to vector<1xi32>
      %squeeze3A_360 = vector.extract %slice3A_359[0] : i32 from vector<1xi32>
      %and3A_361 = arith.constant 8191 : i32
      %and3A_362 = arith.andi %squeeze3A_360, %and3A_361 : i32
      %shift_right_arithmetic3A_363 = arith.constant 4 : i32
      %shift_right_arithmetic3A_364 = arith.shrsi %and3A_362, %shift_right_arithmetic3A_363 : i32
      %shift_left3A_365 = arith.constant 4 : i32
      %shift_left3A_366 = arith.shli %shift_right_arithmetic3A_364, %shift_left3A_365 : i32
      %multiple_of3A_367 = tpu.assume_multiple %shift_left3A_366, 16 : i32
      %and3A_368 = arith.constant 15 : i32
      %and3A_369 = arith.andi %and3A_362, %and3A_368 : i32
      %get3A_370 = arith.constant 3 : i32
      %get3A_371 = arith.index_cast %get3A_370 : i32 to index
      %get3A_372 = arith.index_cast %multiple_of3A_367 : i32 to index
      %get3A_373 = tpu.vector_load %arg12[%get3A_371, %get3A_372] {strides = array<i32>} : memref<4x8192xf32, #tpu.memory_space<vmem>>, vector<1x16xf32>,
      %get3A_374 = vector.shape_cast %get3A_373 : vector<1x16xf32> to vector<16xf32>
      %eq3A_375 = vector.broadcast %and3A_369 : i32 to vector<16xi32>
      %eq3A_376 = arith.cmpi eq, %iota3A, %eq3A_375 : vector<16xi32>
      %jit3A_377 = arith.constant 0.000000e+00 : f32
      %broadcast_in_dim3A_378 = vector.broadcast %jit3A_377 : f32 to vector<16xf32>
      %select_n3A_379 = arith.select %eq3A_376, %get3A_374, %broadcast_in_dim3A_378 : vector<16xi1>, vector<16xf32>
      %add3A_380 = arith.addf %add3A_358, %select_n3A_379 : vector<16xf32>
      %lt3A_381 = arith.constant 128 : i32
      %lt3A_382 = arith.cmpi slt, %add3A_271, %lt3A_381 : i32
      %jit3A_383 = arith.constant 0.000000e+00 : f32
      %broadcast_in_dim3A_384 = vector.broadcast %jit3A_383 : f32 to vector<16xf32>
      %select_n3A_385 = arith.select %lt3A_382, %add3A_380, %broadcast_in_dim3A_384 : vector<16xf32>
      %add3A_386 = arith.addf %add3A_267, %select_n3A_385 : vector<16xf32>
      scf.yield %add3A_386 : vector<16xf32>
    }
    %scan3A_21 = arith.constant 43 : i32
    %add3A_22 = arith.constant 500 : i32
    %add3A_23 = arith.addi %mul3A_2, %add3A_22 : i32
    %dma_wait3A = arith.constant 0 : i32
    %dma_wait3A_24 = tpu.memref_slice %arg5[%add3A_23, %dma_wait3A] : memref<16384x8192xf32, #tpu.memory_space<hbm>> -> memref<4x8192xf32, #tpu.memory_space<hbm>>
    %dma_wait3A_25 = arith.constant 0 : i32
    %dma_wait3A_26 = tpu.memref_slice %arg5[%add3A_23, %dma_wait3A_25] : memref<16384x8192xf32, #tpu.memory_space<hbm>> -> memref<4x8192xf32, #tpu.memory_space<hbm>>
    tpu.wait_dma2 semaphore(%arg18 : memref<!tpu.dma_semaphore, #tpu.memory_space<semaphore_mem>>) src(%arg12 : memref<4x8192xf32, #tpu.memory_space<vmem>>) dst(%dma_wait3A_26 : memref<4x8192xf32, #tpu.memory_space<hbm>>)
    %add3A_27 = arith.constant 504 : i32
    %add3A_28 = arith.addi %mul3A_2, %add3A_27 : i32
    %dma_wait3A_29 = arith.constant 0 : i32
    %dma_wait3A_30 = tpu.memref_slice %arg5[%add3A_28, %dma_wait3A_29] : memref<16384x8192xf32, #tpu.memory_space<hbm>> -> memref<4x8192xf32, #tpu.memory_space<hbm>>
    %dma_wait3A_31 = arith.constant 0 : i32
    %dma_wait3A_32 = tpu.memref_slice %arg5[%add3A_28, %dma_wait3A_31] : memref<16384x8192xf32, #tpu.memory_space<hbm>> -> memref<4x8192xf32, #tpu.memory_space<hbm>>
    tpu.wait_dma2 semaphore(%arg16 : memref<!tpu.dma_semaphore, #tpu.memory_space<semaphore_mem>>) src(%arg10 : memref<4x8192xf32, #tpu.memory_space<vmem>>) dst(%dma_wait3A_32 : memref<4x8192xf32, #tpu.memory_space<hbm>>)
    %add3A_33 = arith.constant 508 : i32
    %add3A_34 = arith.addi %mul3A_2, %add3A_33 : i32
    %dma_wait3A_35 = arith.constant 0 : i32
    %dma_wait3A_36 = tpu.memref_slice %arg5[%add3A_34, %dma_wait3A_35] : memref<16384x8192xf32, #tpu.memory_space<hbm>> -> memref<4x8192xf32, #tpu.memory_space<hbm>>
    %dma_wait3A_37 = arith.constant 0 : i32
    %dma_wait3A_38 = tpu.memref_slice %arg5[%add3A_34, %dma_wait3A_37] : memref<16384x8192xf32, #tpu.memory_space<hbm>> -> memref<4x8192xf32, #tpu.memory_space<hbm>>
    tpu.wait_dma2 semaphore(%arg17 : memref<!tpu.dma_semaphore, #tpu.memory_space<semaphore_mem>>) src(%arg11 : memref<4x8192xf32, #tpu.memory_space<vmem>>) dst(%dma_wait3A_38 : memref<4x8192xf32, #tpu.memory_space<hbm>>)
    %swap3A = arith.constant 0 : index
    %swap3A_39 = tpu.vector_load %arg9[%swap3A] {strides = array<i32>} : memref<16xf32, #tpu.memory_space<vmem>>, vector<16xf32>,
    %swap3A_40 = vector.shape_cast %swap3A_39 : vector<16xf32> to vector<16xf32>
    %swap3A_41 = vector.shape_cast %scan3A_20 : vector<16xf32> to vector<16xf32>
    tpu.vector_store %arg9[%swap3A], %swap3A_41 {strides = array<i32>} : memref<16xf32, #tpu.memory_space<vmem>>, vector<16xf32>,
    "tpu.region"() ({
      %run_scoped3A = tpu.sem_alloc : memref<!tpu.dma_semaphore, #tpu.memory_space<semaphore_mem>>
      %dma_start3A_42 = arith.constant 0 : i32
      %dma_start3A_43 = tpu.memref_slice %arg6[%add3A, %dma_start3A_42] : memref<32x16xf32, #tpu.memory_space<hbm>> -> memref<1x16xf32, #tpu.memory_space<hbm>>
      %dma_start3A_44 = tpu.memref_squeeze %dma_start3A_43 : memref<1x16xf32, #tpu.memory_space<hbm>> -> memref<16xf32, #tpu.memory_space<hbm>>
      %dma_start3A_45 = arith.constant 0 : i32
      %dma_start3A_46 = tpu.memref_slice %arg6[%add3A, %dma_start3A_45] : memref<32x16xf32, #tpu.memory_space<hbm>> -> memref<1x16xf32, #tpu.memory_space<hbm>>
      %dma_start3A_47 = tpu.memref_squeeze %dma_start3A_46 : memref<1x16xf32, #tpu.memory_space<hbm>> -> memref<16xf32, #tpu.memory_space<hbm>>
      tpu.enqueue_dma source(%arg9 : memref<16xf32, #tpu.memory_space<vmem>>) target(%dma_start3A_47 : memref<16xf32, #tpu.memory_space<hbm>>) target_semaphore(%run_scoped3A : memref<!tpu.dma_semaphore, #tpu.memory_space<semaphore_mem>>)
      %dma_wait3A_48 = arith.constant 0 : i32
      %dma_wait3A_49 = tpu.memref_slice %arg6[%add3A, %dma_wait3A_48] : memref<32x16xf32, #tpu.memory_space<hbm>> -> memref<1x16xf32, #tpu.memory_space<hbm>>
      %dma_wait3A_50 = tpu.memref_squeeze %dma_wait3A_49 : memref<1x16xf32, #tpu.memory_space<hbm>> -> memref<16xf32, #tpu.memory_space<hbm>>
      %dma_wait3A_51 = arith.constant 0 : i32
      %dma_wait3A_52 = tpu.memref_slice %arg6[%add3A, %dma_wait3A_51] : memref<32x16xf32, #tpu.memory_space<hbm>> -> memref<1x16xf32, #tpu.memory_space<hbm>>
      %dma_wait3A_53 = tpu.memref_squeeze %dma_wait3A_52 : memref<1x16xf32, #tpu.memory_space<hbm>> -> memref<16xf32, #tpu.memory_space<hbm>>
      tpu.wait_dma2 semaphore(%run_scoped3A : memref<!tpu.dma_semaphore, #tpu.memory_space<semaphore_mem>>) src(%arg9 : memref<16xf32, #tpu.memory_space<vmem>>) dst(%dma_wait3A_53 : memref<16xf32, #tpu.memory_space<hbm>>)
      tpu.yield
    }) : () -> ()
    return
  }
}

#map = affine_map<(d0, d1) -> (0)>
#map1 = affine_map<(d0, d1) -> (0, 0)>
module attributes {stable_mosaic.version = 14 : i64} {
  func.func @_loss_body(%arg0: i32, %arg1: i32, %arg2: memref<8192xf32, #tpu.memory_space<hbm>>, %arg3: memref<32x512xi32, #tpu.memory_space<hbm>>, %arg4: memref<32x16xf32, #tpu.memory_space<hbm>>, %arg5: memref<32x16xf32, #tpu.memory_space<hbm>>, %arg6: memref<512xi32, #tpu.memory_space<vmem>>, %arg7: memref<512xf32, #tpu.memory_space<vmem>>, %arg8: memref<16xf32, #tpu.memory_space<vmem>>, %arg9: memref<16xf32, #tpu.memory_space<vmem>>, %arg10: memref<!tpu.dma_semaphore, #tpu.memory_space<semaphore_mem>>) attributes {dimension_semantics = [#tpu.dimension_semantics<core_parallel>, #tpu.dimension_semantics<subcore_parallel>], iteration_bounds = array<i64: 2, 16>, scalar_prefetch = 0 : i64, scratch_operands = 5 : i64, tpu.core_type = #tpu.core_type<sc_vector_subcore>, window_params = [{transform_indices = #map}, {transform_indices = #map1}, {transform_indices = #map1}, {transform_indices = #map1}]} {
    %mul3A = arith.constant 2 : i32
    %mul3A_0 = arith.muli %arg1, %mul3A : i32
    %add3A = arith.addi %mul3A_0, %arg0 : i32
    "tpu.region"() ({
      %run_scoped3A = tpu.sem_alloc : memref<!tpu.dma_semaphore, #tpu.memory_space<semaphore_mem>>
      %dma_start3A = arith.constant 0 : i32
      %dma_start3A_19 = tpu.memref_slice %arg3[%add3A, %dma_start3A] : memref<32x512xi32, #tpu.memory_space<hbm>> -> memref<1x512xi32, #tpu.memory_space<hbm>>
      %dma_start3A_20 = tpu.memref_squeeze %dma_start3A_19 : memref<1x512xi32, #tpu.memory_space<hbm>> -> memref<512xi32, #tpu.memory_space<hbm>>
      %dma_start3A_21 = arith.constant 0 : i32
      %dma_start3A_22 = tpu.memref_slice %arg3[%add3A, %dma_start3A_21] : memref<32x512xi32, #tpu.memory_space<hbm>> -> memref<1x512xi32, #tpu.memory_space<hbm>>
      %dma_start3A_23 = tpu.memref_squeeze %dma_start3A_22 : memref<1x512xi32, #tpu.memory_space<hbm>> -> memref<512xi32, #tpu.memory_space<hbm>>
      tpu.enqueue_dma source(%dma_start3A_23 : memref<512xi32, #tpu.memory_space<hbm>>) target(%arg6 : memref<512xi32, #tpu.memory_space<vmem>>) target_semaphore(%run_scoped3A : memref<!tpu.dma_semaphore, #tpu.memory_space<semaphore_mem>>)
      %dma_wait3A = arith.constant 0 : i32
      %dma_wait3A_24 = tpu.memref_slice %arg3[%add3A, %dma_wait3A] : memref<32x512xi32, #tpu.memory_space<hbm>> -> memref<1x512xi32, #tpu.memory_space<hbm>>
      %dma_wait3A_25 = tpu.memref_squeeze %dma_wait3A_24 : memref<1x512xi32, #tpu.memory_space<hbm>> -> memref<512xi32, #tpu.memory_space<hbm>>
      %dma_wait3A_26 = arith.constant 0 : i32
      %dma_wait3A_27 = tpu.memref_slice %arg3[%add3A, %dma_wait3A_26] : memref<32x512xi32, #tpu.memory_space<hbm>> -> memref<1x512xi32, #tpu.memory_space<hbm>>
      %dma_wait3A_28 = tpu.memref_squeeze %dma_wait3A_27 : memref<1x512xi32, #tpu.memory_space<hbm>> -> memref<512xi32, #tpu.memory_space<hbm>>
      tpu.wait_dma2 semaphore(%run_scoped3A : memref<!tpu.dma_semaphore, #tpu.memory_space<semaphore_mem>>) src(%dma_wait3A_28 : memref<512xi32, #tpu.memory_space<hbm>>) dst(%arg6 : memref<512xi32, #tpu.memory_space<vmem>>)
      tpu.yield
    }) : () -> ()
    "tpu.region"() ({
      %run_scoped3A = tpu.sem_alloc : memref<!tpu.dma_semaphore, #tpu.memory_space<semaphore_mem>>
      %dma_start3A = arith.constant 0 : i32
      %dma_start3A_19 = tpu.memref_slice %arg4[%add3A, %dma_start3A] : memref<32x16xf32, #tpu.memory_space<hbm>> -> memref<1x16xf32, #tpu.memory_space<hbm>>
      %dma_start3A_20 = tpu.memref_squeeze %dma_start3A_19 : memref<1x16xf32, #tpu.memory_space<hbm>> -> memref<16xf32, #tpu.memory_space<hbm>>
      %dma_start3A_21 = arith.constant 0 : i32
      %dma_start3A_22 = tpu.memref_slice %arg4[%add3A, %dma_start3A_21] : memref<32x16xf32, #tpu.memory_space<hbm>> -> memref<1x16xf32, #tpu.memory_space<hbm>>
      %dma_start3A_23 = tpu.memref_squeeze %dma_start3A_22 : memref<1x16xf32, #tpu.memory_space<hbm>> -> memref<16xf32, #tpu.memory_space<hbm>>
      tpu.enqueue_dma source(%dma_start3A_23 : memref<16xf32, #tpu.memory_space<hbm>>) target(%arg8 : memref<16xf32, #tpu.memory_space<vmem>>) target_semaphore(%run_scoped3A : memref<!tpu.dma_semaphore, #tpu.memory_space<semaphore_mem>>)
      %dma_wait3A = arith.constant 0 : i32
      %dma_wait3A_24 = tpu.memref_slice %arg4[%add3A, %dma_wait3A] : memref<32x16xf32, #tpu.memory_space<hbm>> -> memref<1x16xf32, #tpu.memory_space<hbm>>
      %dma_wait3A_25 = tpu.memref_squeeze %dma_wait3A_24 : memref<1x16xf32, #tpu.memory_space<hbm>> -> memref<16xf32, #tpu.memory_space<hbm>>
      %dma_wait3A_26 = arith.constant 0 : i32
      %dma_wait3A_27 = tpu.memref_slice %arg4[%add3A, %dma_wait3A_26] : memref<32x16xf32, #tpu.memory_space<hbm>> -> memref<1x16xf32, #tpu.memory_space<hbm>>
      %dma_wait3A_28 = tpu.memref_squeeze %dma_wait3A_27 : memref<1x16xf32, #tpu.memory_space<hbm>> -> memref<16xf32, #tpu.memory_space<hbm>>
      tpu.wait_dma2 semaphore(%run_scoped3A : memref<!tpu.dma_semaphore, #tpu.memory_space<semaphore_mem>>) src(%dma_wait3A_28 : memref<16xf32, #tpu.memory_space<hbm>>) dst(%arg8 : memref<16xf32, #tpu.memory_space<vmem>>)
      tpu.yield
    }) : () -> ()
    %scan3A = arith.constant 0 : i32
    %scan3A_1 = arith.constant 0 : i32
    %scan3A_2 = arith.constant 4 : i32
    %scan3A_3 = arith.addi %scan3A_1, %scan3A_2 : i32
    %scan3A_4 = arith.constant 1 : i32
    %scan3A_5 = scf.for %scan3A_19 = %scan3A_1 to %scan3A_3 step %scan3A_4 iter_args(%scan3A_20 = %scan3A) -> (i32)  : i32 {
      %mul3A_21 = arith.constant 128 : i32
      %mul3A_22 = arith.muli %scan3A_19, %mul3A_21 : i32
      %dma_start3A = tpu.memref_slice %arg7[%mul3A_22] : memref<512xf32, #tpu.memory_space<vmem>> -> memref<128xf32, #tpu.memory_space<vmem>>
      %dma_start3A_23 = tpu.memref_slice %arg6[%mul3A_22] : memref<512xi32, #tpu.memory_space<vmem>> -> memref<128xi32, #tpu.memory_space<vmem>>
      %dma_start3A_24 = arith.constant 0 : i32
      %dma_start3A_25 = tpu.memref_slice %arg2[%dma_start3A_24] : memref<8192xf32, #tpu.memory_space<hbm>> -> memref<8192xf32, #tpu.memory_space<hbm>>
      tpu.enqueue_indirect_dma source(%dma_start3A_25 : memref<8192xf32, #tpu.memory_space<hbm>>) target(%dma_start3A : memref<128xf32, #tpu.memory_space<vmem>>) offsets(%dma_start3A_23 : memref<128xi32, #tpu.memory_space<vmem>>) semaphore(%arg10 : memref<!tpu.dma_semaphore, #tpu.memory_space<semaphore_mem>>)
      %dma_wait3A = tpu.memref_slice %arg7[%mul3A_22] : memref<512xf32, #tpu.memory_space<vmem>> -> memref<128xf32, #tpu.memory_space<vmem>>
      %dma_wait3A_26 = tpu.memref_slice %arg6[%mul3A_22] : memref<512xi32, #tpu.memory_space<vmem>> -> memref<128xi32, #tpu.memory_space<vmem>>
      %dma_wait3A_27 = arith.constant 0 : i32
      %dma_wait3A_28 = tpu.memref_slice %arg2[%dma_wait3A_27] : memref<8192xf32, #tpu.memory_space<hbm>> -> memref<8192xf32, #tpu.memory_space<hbm>>
      tpu.wait_indirect_dma semaphore(%arg10 : memref<!tpu.dma_semaphore, #tpu.memory_space<semaphore_mem>>) src(%dma_wait3A_28 : memref<8192xf32, #tpu.memory_space<hbm>>) dst(%dma_wait3A : memref<128xf32, #tpu.memory_space<vmem>>)
      %scan3A_29 = arith.constant 0 : i32
      scf.yield %scan3A_29 : i32
    }
    %scan3A_6 = arith.constant 4 : i32
    %broadcast_in_dim3A = arith.constant 0.000000e+00 : f32
    %broadcast_in_dim3A_7 = vector.broadcast %broadcast_in_dim3A : f32 to vector<16xf32>
    %scan3A_8 = arith.constant 0 : i32
    %scan3A_9 = arith.constant 32 : i32
    %scan3A_10 = arith.addi %scan3A_8, %scan3A_9 : i32
    %scan3A_11 = arith.constant 1 : i32
    %scan3A_12 = scf.for %scan3A_19 = %scan3A_8 to %scan3A_10 step %scan3A_11 iter_args(%scan3A_20 = %broadcast_in_dim3A_7) -> (vector<16xf32>)  : i32 {
      %mul3A_21 = arith.constant 16 : i32
      %mul3A_22 = arith.muli %scan3A_19, %mul3A_21 : i32
      %get3A_23 = arith.index_cast %mul3A_22 : i32 to index
      %get3A_24 = tpu.vector_load %arg7[%get3A_23] {strides = array<i32>} : memref<512xf32, #tpu.memory_space<vmem>>, vector<16xf32>,
      %get3A_25 = vector.shape_cast %get3A_24 : vector<16xf32> to vector<16xf32>
      %add3A_26 = arith.addf %scan3A_20, %get3A_25 : vector<16xf32>
      scf.yield %add3A_26 : vector<16xf32>
    }
    %scan3A_13 = arith.constant 32 : i32
    %get3A = arith.constant 0 : index
    %get3A_14 = tpu.vector_load %arg8[%get3A] {strides = array<i32>} : memref<16xf32, #tpu.memory_space<vmem>>, vector<16xf32>,
    %get3A_15 = vector.shape_cast %get3A_14 : vector<16xf32> to vector<16xf32>
    %sub3A = arith.subf %scan3A_12, %get3A_15 : vector<16xf32>
    %swap3A = arith.constant 0 : index
    %swap3A_16 = tpu.vector_load %arg9[%swap3A] {strides = array<i32>} : memref<16xf32, #tpu.memory_space<vmem>>, vector<16xf32>,
    %swap3A_17 = vector.shape_cast %swap3A_16 : vector<16xf32> to vector<16xf32>
    %swap3A_18 = vector.shape_cast %sub3A : vector<16xf32> to vector<16xf32>
    tpu.vector_store %arg9[%swap3A], %swap3A_18 {strides = array<i32>} : memref<16xf32, #tpu.memory_space<vmem>>, vector<16xf32>,
    "tpu.region"() ({
      %run_scoped3A = tpu.sem_alloc : memref<!tpu.dma_semaphore, #tpu.memory_space<semaphore_mem>>
      %dma_start3A = arith.constant 0 : i32
      %dma_start3A_19 = tpu.memref_slice %arg5[%add3A, %dma_start3A] : memref<32x16xf32, #tpu.memory_space<hbm>> -> memref<1x16xf32, #tpu.memory_space<hbm>>
      %dma_start3A_20 = tpu.memref_squeeze %dma_start3A_19 : memref<1x16xf32, #tpu.memory_space<hbm>> -> memref<16xf32, #tpu.memory_space<hbm>>
      %dma_start3A_21 = arith.constant 0 : i32
      %dma_start3A_22 = tpu.memref_slice %arg5[%add3A, %dma_start3A_21] : memref<32x16xf32, #tpu.memory_space<hbm>> -> memref<1x16xf32, #tpu.memory_space<hbm>>
      %dma_start3A_23 = tpu.memref_squeeze %dma_start3A_22 : memref<1x16xf32, #tpu.memory_space<hbm>> -> memref<16xf32, #tpu.memory_space<hbm>>
      tpu.enqueue_dma source(%arg9 : memref<16xf32, #tpu.memory_space<vmem>>) target(%dma_start3A_23 : memref<16xf32, #tpu.memory_space<hbm>>) target_semaphore(%run_scoped3A : memref<!tpu.dma_semaphore, #tpu.memory_space<semaphore_mem>>)
      %dma_wait3A = arith.constant 0 : i32
      %dma_wait3A_24 = tpu.memref_slice %arg5[%add3A, %dma_wait3A] : memref<32x16xf32, #tpu.memory_space<hbm>> -> memref<1x16xf32, #tpu.memory_space<hbm>>
      %dma_wait3A_25 = tpu.memref_squeeze %dma_wait3A_24 : memref<1x16xf32, #tpu.memory_space<hbm>> -> memref<16xf32, #tpu.memory_space<hbm>>
      %dma_wait3A_26 = arith.constant 0 : i32
      %dma_wait3A_27 = tpu.memref_slice %arg5[%add3A, %dma_wait3A_26] : memref<32x16xf32, #tpu.memory_space<hbm>> -> memref<1x16xf32, #tpu.memory_space<hbm>>
      %dma_wait3A_28 = tpu.memref_squeeze %dma_wait3A_27 : memref<1x16xf32, #tpu.memory_space<hbm>> -> memref<16xf32, #tpu.memory_space<hbm>>
      tpu.wait_dma2 semaphore(%run_scoped3A : memref<!tpu.dma_semaphore, #tpu.memory_space<semaphore_mem>>) src(%arg9 : memref<16xf32, #tpu.memory_space<vmem>>) dst(%dma_wait3A_28 : memref<16xf32, #tpu.memory_space<hbm>>)
      tpu.yield
    }) : () -> ()
    return
  }
}

module attributes {stable_mosaic.version = 14 : i64} {
  func.func @_lse_kernel(%arg0: i32, %arg1: memref<128x8192xf32, #tpu.memory_space<vmem>>, %arg2: memref<128x1xf32, #tpu.memory_space<vmem>>) attributes {dimension_semantics = [#tpu.dimension_semantics<arbitrary>], iteration_bounds = array<i64: 64>, scalar_prefetch = 0 : i64, scratch_operands = 0 : i64, tpu.core_type = #tpu.core_type<tc>, window_params = [{transform_indices = @transform_0, window_bounds = array<i64: 128, 8192>}, {transform_indices = @transform_1, window_bounds = array<i64: 128, 1>}]} {
    %get3A = arith.constant 0 : index
    %get3A_0 = arith.constant 0 : index
    %get3A_1 = vector.load %arg1[%get3A, %get3A_0] : memref<128x8192xf32, #tpu.memory_space<vmem>>, vector<128x8192xf32>
    %reduce_max3A = arith.constant dense<0xFF800000> : vector<128xf32>
    %reduce_max3A_2 = vector.multi_reduction <maximumf>, %get3A_1, %reduce_max3A [1] : vector<128x8192xf32> to vector<128xf32>
    %broadcast_in_dim3A = vector.shape_cast %reduce_max3A_2 : vector<128xf32> to vector<128x1xf32>
    %sub3A = vector.broadcast %broadcast_in_dim3A : vector<128x1xf32> to vector<128x8192xf32>
    %sub3A_3 = arith.subf %get3A_1, %sub3A : vector<128x8192xf32>
    %exp3A = math.exp %sub3A_3 : vector<128x8192xf32>
    %reduce_sum3A = arith.constant dense<0.000000e+00> : vector<128xf32>
    %reduce_sum3A_4 = vector.multi_reduction <add>, %exp3A, %reduce_sum3A [1] : vector<128x8192xf32> to vector<128xf32>
    %broadcast_in_dim3A_5 = vector.shape_cast %reduce_sum3A_4 : vector<128xf32> to vector<128x1xf32>
    %log3A = math.log %broadcast_in_dim3A_5 : vector<128x1xf32>
    %add3A = arith.addf %broadcast_in_dim3A, %log3A : vector<128x1xf32>
    %swap3A = arith.constant 0 : index
    %swap3A_6 = arith.constant 0 : index
    %swap3A_7 = vector.load %arg2[%swap3A, %swap3A_6] : memref<128x1xf32, #tpu.memory_space<vmem>>, vector<128x1xf32>
    tpu.vector_store %arg2[%swap3A, %swap3A_6], %add3A {strides = array<i32>} : memref<128x1xf32, #tpu.memory_space<vmem>>, vector<128x1xf32>,
    return
  }
  func.func @transform_0(%arg0: i32) -> (i32, i32) {
    %c0_i32 = arith.constant 0 : i32
    %c0_i32_0 = arith.constant 0 : i32
    return %arg0, %c0_i32 : i32, i32
  }
  func.func @transform_1(%arg0: i32) -> (i32, i32) {
    %c0_i32 = arith.constant 0 : i32
    %c0_i32_0 = arith.constant 0 : i32
    return %arg0, %c0_i32 : i32, i32
  }
}

</mosaic_0001>

<sc_bundles>
// kernel: kernel.5.cloned.1.call-start
scs
__scs_entry_jumppad:
0x0: {  	(pc) =	sbr.rel $0x88, $3  }
0x1: {  	(tag) =	ssettag $0x0;
	lr =	simm.s32 $0x1  }
0x2: {  	[smem:$0x3F9E] =	sst lr;
	_ =	strace $0xD0000000  }
0x3: {  	_ = 	snop  }
0x4: {  	_ = 	snop  }
0x5: {  	_ = 	snop  }
0x6: {  	_ = 	snop  }
0x7: {  	_ = 	snop  }
__scs_overlays_trampoline_lowered:
0x8: {  	[smem:$0x3FAD] =	sst s0  }
0x9: {  	[smem:$0x3FAE] =	sst s1  }
0xa: {  	[smem:$0x3FAF] =	sst s2  }
0xb: {  	[smem:$0x3FB0] =	sst s3  }
0xc: {  	[smem:$0x3FB1] =	sst s4  }
0xd: {  	[smem:$0x3FB2] =	sst s5  }
0xe: {  	[smem:$0x3FB3] =	sst s6  }
0xf: {  	[smem:$0x3FB4] =	sst s7  }
0x10: {  	[smem:$0x3FB5] =	sst s8  }
0x11: {  	[smem:$0x3FB6] =	sst s9;
	s0 =	simm.s32 @!p0 $0x0  }
0x12: {  	s1 =	sld [smem:$0x3F9C];
	s0 =	simm.s32 @p0 $0x1  }
0x13: {  	[smem:$0x3FB7] =	sst s0;
	s0 =	simm.s32 @!p1 $0x0  }
0x14: {  	s2 =	sld [smem:$0x3F9B];
	s0 =	simm.s32 @p1 $0x1  }
0x15: {  	[smem:$0x3FB8] =	sst s0;
	s0 =	simm.s32 @!p2 $0x0  }
0x16: {  	s3 =	sld [smem:$0x3FDB];
	s0 =	simm.s32 @p2 $0x1  }
0x17: {  	s4 =	simm.s32 $0x1BF5;
	[smem:$0x3FBA] =	sst s0  }
0x18: {  	s0 =	sld [smem:$0x3F9D];
	_ =	swait.ge [sflag:s4], $0x0  }
0x19: {  	s7 =	sld [smem:$0x3F9E]  }
0x1a: {  	s8 =	sadd.s32 $0xFFFFE003, lr  }
0x1b: {  	s9 =	sadd.s32 $0xFFFFFEF7, lr;
	s5 =	simm.s32 $0xFFFFFFFF;
	p2 =	slt.u32 s8, $0xFFFFF086  }
0x1c: {  	p1 =	slt.u32 s9, $0xF7A;
	s5 =	simm.s32 @!p2 $0x0  }
0x1d: {  	s5 =	simm.s32 @p1 $0x1;
	p0 =	seq.s32 s7, s2  }
0x1e: {  	s7 =	smul.u32 @!p0 $0xF7A, s2;
	p2 =	seq.s32 @!p0 s5, $0x0  }
0x1f: {  	s9 =	smul.u32 $0xF7A, s1;
	s8 =	simm.s32 @!p0 $0x1BF5;
	p2 =	por !p2, p0  }
0x20: {  	[sflag:s8] =	ssyncset.s32 @!p0 $0xFFFFF086;
	s6 =	sadd.s32 @!p0 s3, s7;
	s7 =	simm.s32 @!p0 $0x108  }
0x21: {  	s3 =	sadd.s32 s3, s9;
	s6 =	sadd.s32 @!p0 $0x88, s6;
	s7 =	simm.s32 @p2 $0x1082  }
0x22: {  	[simem:s7], [sflag:s8] =	dma.local @!p0 [hbm:s6], $0xF7A  }
0x23: {  	s9 =	sor.u32 $0xD0000000, s2;
	s6 =	simm.s32 $0x108;
	_ =	swait.ge @!p0 [sflag:s8], $0x0  }
0x24: {  	s3 =	sadd.s32 $0x88, s3;
	s6 =	simm.s32 @!p1 $0x1082;
	[sflag:s4] =	ssyncset.s32 $0xFFFFF086  }
0x25: {  	[simem:s6], [sflag:s4] =	dma.local [hbm:s3], $0xF7A  }
0x26: {  	[smem:$0x3F9E] =	sst s1;
	(tag) =	ssettag s2;
	_ =	strace s9  }
0x27: {  	s1 =	sld [smem:$0x3FAE]  }
0x28: {  	s2 =	sld [smem:$0x3FAF]  }
0x29: {  	s4 =	sld [smem:$0x3FB1]  }
0x2a: {  	p0 =	seq.s32 s5, $0x0;
	s5 =	sld [smem:$0x3FB2]  }
0x2b: {  	s6 =	sld [smem:$0x3FB3]  }
0x2c: {  	s7 =	sld [smem:$0x3FB4]  }
0x2d: {  	s3 =	simm.s32 $0x108;
	s8 =	sld [smem:$0x3FB5]  }
0x2e: {  	s3 =	simm.s32 @!p0 $0x1082;
	s9 =	sld [smem:$0x3FB6]  }
0x2f: {  	lr =	sadd.s32 s0, s3;
	s0 =	sld [smem:$0x3FAD]  }
0x30: {  	s3 =	sld [smem:$0x3FB0]  }
0x31: {  	[smem:$0x3FB9] =	sst s10  }
0x32: {  	s10 =	sld [smem:$0x3FB7];
	_ =	sdelay $0x3  }
0x33: {  	p0 =	seq.s32 s10, $0x1;
	s10 =	sld [smem:$0x3FB9];
	_ =	sdelay $0x3  }
0x34: {  	[smem:$0x3FB9] =	sst s10  }
0x35: {  	s10 =	sld [smem:$0x3FB8];
	_ =	sdelay $0x3  }
0x36: {  	p1 =	seq.s32 s10, $0x1;
	s10 =	sld [smem:$0x3FB9];
	_ =	sdelay $0x3  }
0x37: {  	[smem:$0x3FB9] =	sst s10  }
0x38: {  	s10 =	sld [smem:$0x3FBA]  }
0x39: {  	_ = 	snop;
	(pc) =	sbr.ind lr, $3  }
0x3a: {  	_ = 	snop  }
0x3b: {  	_ = 	snop  }
0x3c: {  	p2 =	seq.s32 s10, $0x1;
	s10 =	sld [smem:$0x3FB9]  }
0x3d: {  	_ =	shalt  }
0x3e: {  	_ =	shalt  }
0x3f: {  	_ =	shalt  }
0x40: {  	_ =	shalt  }
0x41: {  	_ =	shalt  }
0x42: {  	_ =	shalt  }
0x43: {  	_ =	shalt  }
0x44: {  	_ =	shalt  }
0x45: {  	_ =	shalt  }
0x46: {  	_ =	shalt  }
0x47: {  	_ =	shalt  }
0x48: {  	_ =	shalt  }
0x49: {  	_ =	shalt  }
0x4a: {  	_ =	shalt  }
0x4b: {  	_ =	shalt  }
0x4c: {  	_ =	shalt  }
0x4d: {  	_ =	shalt  }
0x4e: {  	_ =	shalt  }
0x4f: {  	_ =	shalt  }
0x50: {  	_ =	shalt  }
0x51: {  	_ =	shalt  }
0x52: {  	_ =	shalt  }
0x53: {  	_ =	shalt  }
0x54: {  	_ =	shalt  }
0x55: {  	_ =	shalt  }
0x56: {  	_ =	shalt  }
0x57: {  	_ =	shalt  }
0x58: {  	_ =	shalt  }
0x59: {  	_ =	shalt  }
0x5a: {  	_ =	shalt  }
0x5b: {  	_ =	shalt  }
0x5c: {  	_ =	shalt  }
0x5d: {  	_ =	shalt  }
0x5e: {  	_ =	shalt  }
0x5f: {  	_ =	shalt  }
0x60: {  	_ =	shalt  }
0x61: {  	_ =	shalt  }
0x62: {  	_ =	shalt  }
0x63: {  	_ =	shalt  }
0x64: {  	_ =	shalt  }
0x65: {  	_ =	shalt  }
0x66: {  	_ =	shalt  }
0x67: {  	_ =	shalt  }
0x68: {  	_ =	shalt  }
0x69: {  	_ =	shalt  }
0x6a: {  	_ =	shalt  }
0x6b: {  	_ =	shalt  }
0x6c: {  	_ =	shalt  }
0x6d: {  	_ =	shalt  }
0x6e: {  	_ =	shalt  }
0x6f: {  	_ =	shalt  }
0x70: {  	_ =	shalt  }
0x71: {  	_ =	shalt  }
0x72: {  	_ =	shalt  }
0x73: {  	_ =	shalt  }
0x74: {  	_ =	shalt  }
0x75: {  	_ =	shalt  }
0x76: {  	_ =	shalt  }
0x77: {  	_ =	shalt  }
0x78: {  	_ =	shalt  }
0x79: {  	_ =	shalt  }
0x7a: {  	_ =	shalt  }
0x7b: {  	_ =	shalt  }
0x7c: {  	_ =	shalt  }
0x7d: {  	_ =	shalt  }
0x7e: {  	_ =	shalt  }
0x7f: {  	_ =	shalt  }
0x80: {  	_ =	shalt  }
0x81: {  	_ =	shalt  }
0x82: {  	_ =	shalt  }
0x83: {  	_ =	shalt  }
0x84: {  	_ =	shalt  }
0x85: {  	_ =	shalt  }
0x86: {  	_ =	shalt  }
0x87: {  	_ =	shalt  }
.Lfunc_end0:
.L_simem_size_0:
called_computation_lowered:
.L_overlay_start_0:
0x88: {  	s2 =	sld [smem:$0x3FD9]  }
0x89: {  	s3 =	sld [smem:$0x3FFE];
	_ =	sdelay $0x1  }
0x8a: {  	s1 =	srdreg.scid  }
0x8b: {  	s0 =	sand.u32 $0x1, s1  }
0x8c: {  	s14 =	sshll.u32 s0, $0xA;
	s2 =	sadd.s32 s3, s2  }
0x8d: {  	s2 =	sadd.s32 s2, s14  }
0x8e: {  	[smem:$0x3FC5] =	sst s2  }
0x8f: {  	_ = 	snop  }
0x90: {  	s2 =	sld [smem:$0x3FD0];
	_ =	sdelay $0x2  }
0x91: {  	s4 =	simm.s32 $0xA;
	s5 =	simm.s32 $0x10;
	s15 =	sld [smem:$0x3FC7]  }
0x92: {  	[smem:s5], [sflag:s4] =	dma.local [hbm:s2], $0x1  }
0x93: {  	_ =	swait.eq [sflag:s4], $0x1  }
0x94: {  	[sflag:s4] =	ssyncset.done $0x0  }
0x95: {  	[sflag:s4] =	ssyncadd.s32 $0xFFFFFFFF  }
0x96: {  	s16 =	sld [smem:$0x10];
	(tm) =	ssettm $0x1  }
0x97: {  	s17 =	sld [smem:$0x3FFB];
	_ =	sdelay $0x3  }
0x98: {  	_ =	strace s17  }
0x99: {  	s4 =	sld [smem:$0x3FFC];
	_ =	sdelay $0x3  }
0x9a: {  	_ =	strace s4  }
0x9b: {  	s4 =	sld [smem:$0x3FFD];
	_ =	sdelay $0x3  }
0x9c: {  	_ =	strace s4  }
0x9d: {  	_ =	strace $0x8FFFFFFF  }
0x9e: {  	s18 =	sld [smem:$0x3FDB];
	_ =	sdelay $0x1  }
0x9f: {  	s19 =	simm.s32 $_scs_section_size  }
0xa0: {  	s6 =	simm.s32 $_size__tile_overlayer_lowered;
	s7 =	simm.s32 $_tile_overlayer_lowered  }
0xa1: {  	s22 =	simm.s32 $0x1BFF;
	s21 =	sshll.u32 s7, $0x1;
	s4 =	sadd.s32 s19, s18  }
0xa2: {  	s8 =	simm.s32 $0x0;
	s20 =	sshll.u32 s6, $0x1;
	s6 =	sadd.s32 s21, s4  }
0xa3: {  	[timem:s8], [sflag:s22] =	dma.local [hbm:s6], s20  }
0xa4: {  	_ =	swait.ge [sflag:s22], s20  }
0xa5: {  	s5 =	ssub.s32 $0x0, s20;
	[sflag:s22] =	ssyncset.done $0x0  }
0xa6: {  	[sflag:s22] =	ssyncadd.s32 s5;
	_ =	sdelay $0x1  }
0xa7: {  	s23 =	simm.s32 $0x1B8B  }
0xa8: {  	_ =	swait.ge [sflag:s23], $0x1  }
0xa9: {  	[sflag:s23] =	ssyncset.done $0x0  }
0xaa: {  	s25 =	simm.s32 $0x1B8E;
	s24 =	sld [smem:$0x3FFE];
	[sflag:s23] =	ssyncadd.s32 $0xFFFFFFFF  }
0xab: {  	s26 =	simm.s32 $execute0_lowered;
	[smem:$0x3FD2] =	sst s25  }
0xac: {  	s6 =	sshll.u32 s26, $0x1;
	_ =	strace $0x80000046;
	[dreg:$0x1] =	wrdreg $0xFFFFFFFF  }
0xad: {  	s28 =	simm.s32 $_size_execute0_lowered;
	s4 =	sadd.s32 s4, s6;
	[dreg:$0x0] =	wrdreg $0x0  }
0xae: {  	s6 =	sshll.u32 s28, $0x1;
	[dreg:$0x2] =	wrdreg s4  }
0xaf: {  	[dreg:$0x3] =	wrdreg s6  }
0xb0: {  	[dreg:$0x4] =	wrdreg $0xC0  }
0xb1: {  	_ =	task [dreg:s8], $0x5FFFF  }
0xb2: {  	[dreg:$0x1] =	wrdreg $0xFFFFFFFF  }
0xb3: {  	[dreg:$0x0] =	wrdreg $0x60  }
0xb4: {  	[dreg:$0x2] =	wrdreg s15  }
0xb5: {  	[dreg:$0x3] =	wrdreg s24  }
0xb6: {  	[dreg:$0x4] =	wrdreg s16  }
0xb7: {  	[dreg:$0x5] =	wrdreg $0x9  }
0xb8: {  	_ =	task.clear_ibuf [dreg:s8], $0x6FFFF;
	_ =	strace $0x90000046  }
0xb9: {  	s29 =	simm.s32 $0x9;
	_ =	strace $0x80000048  }
0xba: {  	_ =	swait.ge [sflag:s29], $0x1  }
0xbb: {  	[sflag:s29] =	ssyncadd.s32 $0xFFFFFFFF  }
0xbc: {  	_ =	strace $0x90000048  }
0xbd: {  	_ =	sfence  }
0xbe: {  	s30 =	sld [smem:$0x0];
	_ =	sdelay $0x2  }
0xbf: {  	s31 =	sshll.u32 s1, $0xD;
	s1 =	sshrl.u32 s1, $0x2  }
0xc0: {  	s3 =	sand.u32 $0x4000, s31;
	s1 =	sadd.s32 s1, s30  }
0xc1: {  	s0 =	sor.u32 s3, s0;
	s1 =	sshll.u32 s1, $0x11  }
0xc2: {  	s0 =	sor.u32 s1, s0  }
0xc3: {  	s0 =	sadd.s32 $0x8F2B, s0  }
0xc4: {  	[sflag:s0] =	ssyncadd.remote.s32 $0x1  }
0xc5: {  	_ =	sfence.sel $0xFFFF  }
0xc6: {  	[dreg:$0x0] =	wrdreg $0xFFFFFFFF;
	(pc) =	sbr.abs _section_cstart, $3  }
0xc7: {  	[dreg:$0x1] =	wrdreg $0xFFFFFFFF  }
0xc8: {  	_ =	task.clear_ibuf [dreg:s8], $0x2FFFF;
	_ =	strace $0x9FFFFFFF  }
0xc9: {  	(tm) =	ssettm $0x7FFFFFFF  }
tec
execute0_lowered:
.L_overlay_start_1:
0x0: {  	(tag) =	ssettag $0x1  }
0x1: {  	s8 =	rddreg [dreg:$0x0]  }
0x2: {  	s0 =	rddreg [dreg:$0x1]  }
0x3: {  	s10 =	rddreg [dreg:$0x2];
	s12 =	simm.s32 $0x0  }
0x4: {  	[smem:$0x7FF] =	sst s12;
	s14 =	sadd.s32 $0x200, s8  }
0x5: {  	s15 =	sadd.s32 $0x400, s8;
	_ =	strace $0x80000047;
	[dreg:$0x6] =	wrdreg s14  }
0x6: {  	s16 =	sadd.s32 $0x600, s8;
	[dreg:$0x7] =	wrdreg s15  }
0x7: {  	s17 =	sadd.s32 $0x800, s8;
	[dreg:$0x8] =	wrdreg s16  }
0x8: {  	s18 =	sadd.s32 $0xA00, s8;
	[dreg:$0x9] =	wrdreg s17  }
0x9: {  	s19 =	sadd.s32 $0xC00, s8;
	[dreg:$0xa] =	wrdreg s18  }
0xa: {  	s20 =	sadd.s32 $0xE00, s8;
	[dreg:$0xb] =	wrdreg s19  }
0xb: {  	s1 =	srdreg.scid;
	s21 =	sadd.s32 $0x1000, s8;
	[dreg:$0xc] =	wrdreg s20  }
0xc: {  	s9 =	stileid.u32;
	s22 =	sadd.s32 $0x1200, s8;
	[dreg:$0xd] =	wrdreg s21  }
0xd: {  	s1 =	sand.u32 $0x1, s1;
	s23 =	sadd.s32 $0x1400, s8;
	[dreg:$0xe] =	wrdreg s22  }
0xe: {  	s2 =	sshll.u32 s9, $0x1;
	s24 =	sadd.s32 $0x1600, s8;
	[dreg:$0xf] =	wrdreg s23  }
0xf: {  	s3 =	sshrl.u32 s9, $0x2;
	s25 =	sadd.s32 $0x1800, s8;
	[dreg:$0x10] =	wrdreg s24  }
0x10: {  	s26 =	sadd.s32 $0x1A00, s8;
	s28 =	sadd.s32 $0x1C00, s8;
	[dreg:$0x11] =	wrdreg s25  }
0x11: {  	s29 =	sadd.s32 $0x1E00, s8;
	s30 =	sshll.u32 s9, $0x14;
	[dreg:$0x12] =	wrdreg s26  }
0x12: {  	s2 =	sor.u32 s1, s2;
	s6 =	sshll.u32 s3, $0xD;
	[dreg:$0x13] =	wrdreg s28  }
0x13: {  	s3 =	sshll.u32 s3, $0xA;
	s4 =	ssub.s32 $0x2, s1;
	[dreg:$0x14] =	wrdreg s29  }
0x14: {  	s1 =	sshll.u32 s1, $0x13;
	s19 =	simm.s32 $0x400;
	s21 =	simm.s32 $0x200  }
0x15: {  	s5 =	sshll.u32 s2, $0x7;
	s2 =	sshll.u32 s2, $0xB;
	s7 =	sshrl.u32 s4, $0x1  }
0x16: {  	s5 =	sand.u32 $0x380, s5;
	s2 =	sadd.s32 s2, s0;
	s11 =	ssub.s32 s4, s7  }
0x17: {  	s6 =	sor.u32 s6, s5;
	s3 =	sor.u32 s3, s5;
	s2 =	sadd.s32 $0x1600, s2  }
.Ltmp0:
0x18: {  	s31 =	smax.u32 s11, $0x1;
	s6 =	sshrl.u32 s6, $0x3;
	(pc) =	sbr.rel .LBB2_1-.Ltmp0, $4  }
0x19: {  	s3 =	sshrl.u32 s3, $0x3;
	[dreg:$0x4] =	wrdreg s2;
	s6 =	sadd.s32 s6, s0  }
0x1a: {  	v0 =	vlaneseq.u32;
	[dreg:$0x16] =	wrdreg s31;
	s0 =	sadd.s32 s3, s0;
	s13 =	sadd.s32 $0x600, s6  }
0x1b: {  	v2 =	vshrl.u32 v0, $0x2;
	s18 =	sor.u32 s1, s30;
	s0 =	sadd.s32 $0x11600, s0;
	[dreg:$0x5] =	wrdreg s13  }
0x1c: {  	vm0 =	vmmov $0xffff;
	v1 =	vand.u32 $0x3, v0;
	v2 =	vmul.u32 $0x8, v2;
	s1 =	simm.s32 $0x7;
	s2 =	simm.s32 $0x0;
	[dreg:$0x15] =	wrdreg s0  }
.LBB2_7:
0x1d: {  	s0 =	simm.s32 $0x6  }
0x1e: {  	_ =	swait.ge [sflag:s0], $0x8000  }
0x1f: {  	[sflag:s0] =	ssyncset.done $0x0  }
0x20: {  	s28 =	simm.s32 $0x4;
	[sflag:s0] =	ssyncadd.s32 $0xFFFF8000  }
0x21: {  	_ =	swait.ge [sflag:s28], $0x8000  }
0x22: {  	[sflag:s28] =	ssyncset.done $0x0  }
0x23: {  	s29 =	simm.s32 $0x5;
	[sflag:s28] =	ssyncadd.s32 $0xFFFF8000  }
0x24: {  	_ =	swait.ge [sflag:s29], $0x8000  }
0x25: {  	[sflag:s29] =	ssyncset.done $0x0  }
0x26: {  	[sflag:s29] =	ssyncadd.s32 $0xFFFF8000  }
0x27: {  	s12 =	simm.s32 $0x0;
	s1 =	simm.s32 $0x4480;
	s30 =	rddreg [dreg:$0x15];
	[tilespmem:$0x4480] =	vst v3  }
0x28: {  	[hbm4b:s30+s12] =	stream.linear.scatter [tilespmem:s1], [sflag:$0x7], $0x80, $0x38;
	[tilespmem:$0x1C500] =	vst v63  }
0x29: {  	s1 =	simm.s32 $0x7  }
0x2a: {  	_ =	swait.ge [sflag:s1], $0x80  }
0x2b: {  	s2 =	rddreg [dreg:$0x17]  }
0x2c: {  	s31 =	rddreg [dreg:$0x16];
	s2 =	sadd.s32 $0x1, s2  }
0x2d: {  	p0 =	sne.s32 s2, s31  }
.Ltmp1:
0x2e: {  	_ = 	snop;
	(pc) =	sbr.rel @!p0 .LBB2_8-.Ltmp1, $3  }
0x2f: {  	_ =	sdelay $0x1  }
0x30: {  	[sflag:s1] =	ssyncset.done $0x0  }
0x31: {  	[sflag:s1] =	ssyncadd.s32 $0xFFFFFF80  }
.LBB2_1:
0x32: {  	[dreg:$0x17] =	wrdreg s2  }
0x33: {  	s0 =	rddreg [dreg:$0x4]  }
0x34: {  	[tilespmem:s12], [sflag:$0x7] =	stream.linear.gather [hbm4b:s0+s12], $0x4000, $0x38;
	[tilespmem:$0x1C500] =	vst v63  }
0x35: {  	_ =	swait.ge [sflag:s1], $0x4000  }
0x36: {  	s29 =	simm.s32 $0x80;
	[sflag:s1] =	ssyncset.done $0x0  }
0x37: {  	s3 =	simm.s32 $0x4000;
	s28 =	rddreg [dreg:$0x5];
	[sflag:s1] =	ssyncadd.s32 $0xFFFFC000  }
0x38: {  	[tilespmem:s3], [sflag:$0x7] =	stream.strided.gather [hbm4b:s28+s29], $0x400, s19, s29, $0x38;
	[tilespmem:$0x1C500] =	vst v63  }
0x39: {  	_ =	swait.ge [sflag:s1], $0x400  }
0x3a: {  	[sflag:s1] =	ssyncset.done $0x0  }
0x3b: {  	[sflag:s1] =	ssyncadd.s32 $0xFFFFFC00  }
0x3c: {  	v3 =	vld.msk [tilespmem:$0x0], $0xf;
	_ =	sdelay $0x4  }
0x3d: {  	v4 =	vshll.u32 v3, $0x6  }
0x3e: {  	v3 =	vand.u32 $0x7, v3;
	v4 =	vand.u32 $0xFFFFFE00, v4  }
0x3f: {  	v3 =	vor.u32 v3, v4  }
0x40: {  	v3 =	vperm.xlane v3, v1;
	_ =	sdelay $0x1  }
0x41: {  	v3 =	vadd.s32 v2, v3;
	_ =	sdelay $0x3  }
0x42: {  	s13 =	simm.s32 $0x4500;
	s30 =	rddreg [dreg:$0x0]  }
0x43: {  	[tilespmem:s13], [sflag:$0x1] =	stream.indirect_vreg.gather [hbm4b:s30+s12], $0x80, v3, vm0, $0xb8;
	[tilespmem:$0x1C500] =	vst v63  }
0x44: {  	s14 =	simm.s32 $0x4D00;
	s1 =	rddreg [dreg:$0x6]  }
0x45: {  	[tilespmem:s14], [sflag:$0x1] =	stream.indirect_vreg.gather [hbm4b:s1+s12], $0x80, v3, vm0, $0xb8;
	[tilespmem:$0x1C500] =	vst v63  }
0x46: {  	s15 =	simm.s32 $0x5500;
	s2 =	rddreg [dreg:$0x7]  }
0x47: {  	[tilespmem:s15], [sflag:$0x1] =	stream.indirect_vreg.gather [hbm4b:s2+s12], $0x80, v3, vm0, $0xb8;
	[tilespmem:$0x1C500] =	vst v63  }
0x48: {  	s4 =	simm.s32 $0x5D00;
	s3 =	rddreg [dreg:$0x8]  }
0x49: {  	[tilespmem:s4], [sflag:$0x1] =	stream.indirect_vreg.gather [hbm4b:s3+s12], $0x80, v3, vm0, $0xb8;
	[tilespmem:$0x1C500] =	vst v63  }
0x4a: {  	s16 =	simm.s32 $0x6500;
	s5 =	rddreg [dreg:$0x9]  }
0x4b: {  	[tilespmem:s16], [sflag:$0x1] =	stream.indirect_vreg.gather [hbm4b:s5+s12], $0x80, v3, vm0, $0xb8;
	[tilespmem:$0x1C500] =	vst v63  }
0x4c: {  	s17 =	simm.s32 $0x6D00;
	s6 =	rddreg [dreg:$0xa]  }
0x4d: {  	[tilespmem:s17], [sflag:$0x1] =	stream.indirect_vreg.gather [hbm4b:s6+s12], $0x80, v3, vm0, $0xb8;
	[tilespmem:$0x1C500] =	vst v63  }
0x4e: {  	s20 =	simm.s32 $0x7500;
	s7 =	rddreg [dreg:$0xb]  }
0x4f: {  	[tilespmem:s20], [sflag:$0x1] =	stream.indirect_vreg.gather [hbm4b:s7+s12], $0x80, v3, vm0, $0xb8;
	[tilespmem:$0x1C500] =	vst v63  }
0x50: {  	s22 =	simm.s32 $0x7D00;
	s8 =	rddreg [dreg:$0xc]  }
0x51: {  	[tilespmem:s22], [sflag:$0x1] =	stream.indirect_vreg.gather [hbm4b:s8+s12], $0x80, v3, vm0, $0xb8;
	[tilespmem:$0x1C500] =	vst v63  }
0x52: {  	s23 =	simm.s32 $0x8500;
	s9 =	rddreg [dreg:$0xd]  }
0x53: {  	[tilespmem:s23], [sflag:$0x1] =	stream.indirect_vreg.gather [hbm4b:s9+s12], $0x80, v3, vm0, $0xb8;
	[tilespmem:$0x1C500] =	vst v63  }
0x54: {  	s24 =	simm.s32 $0x8D00;
	s11 =	rddreg [dreg:$0xe]  }
0x55: {  	[tilespmem:s24], [sflag:$0x1] =	stream.indirect_vreg.gather [hbm4b:s11+s12], $0x80, v3, vm0, $0xb8;
	[tilespmem:$0x1C500] =	vst v63  }
0x56: {  	s25 =	rddreg [dreg:$0xf];
	s13 =	simm.s32 $0x9500  }
0x57: {  	[tilespmem:s13], [sflag:$0x1] =	stream.indirect_vreg.gather [hbm4b:s25+s12], $0x80, v3, vm0, $0xb8;
	[tilespmem:$0x1C500] =	vst v63  }
0x58: {  	s26 =	rddreg [dreg:$0x10];
	s14 =	simm.s32 $0x9D00  }
0x59: {  	[tilespmem:s14], [sflag:$0x1] =	stream.indirect_vreg.gather [hbm4b:s26+s12], $0x80, v3, vm0, $0xb8;
	[tilespmem:$0x1C500] =	vst v63  }
0x5a: {  	s28 =	rddreg [dreg:$0x11];
	s15 =	simm.s32 $0xA500  }
0x5b: {  	[tilespmem:s15], [sflag:$0x1] =	stream.indirect_vreg.gather [hbm4b:s28+s12], $0x80, v3, vm0, $0xb8;
	[tilespmem:$0x1C500] =	vst v63  }
0x5c: {  	s16 =	simm.s32 $0xAD00;
	s15 =	rddreg [dreg:$0x12]  }
0x5d: {  	[tilespmem:s16], [sflag:$0x1] =	stream.indirect_vreg.gather [hbm4b:s15+s12], $0x80, v3, vm0, $0xb8;
	[tilespmem:$0x1C500] =	vst v63  }
0x5e: {  	s17 =	simm.s32 $0xB500;
	s16 =	rddreg [dreg:$0x13]  }
0x5f: {  	[tilespmem:s17], [sflag:$0x1] =	stream.indirect_vreg.gather [hbm4b:s16+s12], $0x80, v3, vm0, $0xb8;
	[tilespmem:$0x1C500] =	vst v63  }
0x60: {  	s20 =	simm.s32 $0xBD00;
	s17 =	rddreg [dreg:$0x14]  }
0x61: {  	[tilespmem:s20], [sflag:$0x1] =	stream.indirect_vreg.gather [hbm4b:s17+s12], $0x80, v3, vm0, $0xb8;
	[tilespmem:$0x1C500] =	vst v63  }
0x62: {  	v3 =	vld.msk [tilespmem:$0x80], $0xf;
	_ =	sdelay $0x4  }
0x63: {  	v4 =	vshll.u32 v3, $0x6  }
0x64: {  	v3 =	vand.u32 $0x7, v3;
	v4 =	vand.u32 $0xFFFFFE00, v4  }
0x65: {  	v3 =	vor.u32 v3, v4  }
0x66: {  	v3 =	vperm.xlane v3, v1;
	_ =	sdelay $0x1  }
0x67: {  	v3 =	vadd.s32 v2, v3;
	_ =	sdelay $0x3  }
0x68: {  	s29 =	simm.s32 $0xC500  }
0x69: {  	[tilespmem:s29], [sflag:$0x2] =	stream.indirect_vreg.gather [hbm4b:s30+s12], $0x80, v3, vm0, $0xb8;
	[tilespmem:$0x1C500] =	vst v63  }
0x6a: {  	s30 =	simm.s32 $0xCD00  }
0x6b: {  	[tilespmem:s30], [sflag:$0x2] =	stream.indirect_vreg.gather [hbm4b:s1+s12], $0x80, v3, vm0, $0xb8;
	[tilespmem:$0x1C500] =	vst v63  }
0x6c: {  	s1 =	simm.s32 $0xD500  }
0x6d: {  	[tilespmem:s1], [sflag:$0x2] =	stream.indirect_vreg.gather [hbm4b:s2+s12], $0x80, v3, vm0, $0xb8;
	[tilespmem:$0x1C500] =	vst v63  }
0x6e: {  	s2 =	simm.s32 $0xDD00  }
0x6f: {  	[tilespmem:s2], [sflag:$0x2] =	stream.indirect_vreg.gather [hbm4b:s3+s12], $0x80, v3, vm0, $0xb8;
	[tilespmem:$0x1C500] =	vst v63  }
0x70: {  	s3 =	simm.s32 $0xE500  }
0x71: {  	[tilespmem:s3], [sflag:$0x2] =	stream.indirect_vreg.gather [hbm4b:s5+s12], $0x80, v3, vm0, $0xb8;
	[tilespmem:$0x1C500] =	vst v63  }
0x72: {  	s5 =	simm.s32 $0xED00  }
0x73: {  	[tilespmem:s5], [sflag:$0x2] =	stream.indirect_vreg.gather [hbm4b:s6+s12], $0x80, v3, vm0, $0xb8;
	[tilespmem:$0x1C500] =	vst v63  }
0x74: {  	s6 =	simm.s32 $0xF500  }
0x75: {  	[tilespmem:s6], [sflag:$0x2] =	stream.indirect_vreg.gather [hbm4b:s7+s12], $0x80, v3, vm0, $0xb8;
	[tilespmem:$0x1C500] =	vst v63  }
0x76: {  	s20 =	simm.s32 $0xFD00  }
0x77: {  	[tilespmem:s20], [sflag:$0x2] =	stream.indirect_vreg.gather [hbm4b:s8+s12], $0x80, v3, vm0, $0xb8;
	[tilespmem:$0x1C500] =	vst v63  }
0x78: {  	s22 =	simm.s32 $0x10500  }
0x79: {  	[tilespmem:s22], [sflag:$0x2] =	stream.indirect_vreg.gather [hbm4b:s9+s12], $0x80, v3, vm0, $0xb8;
	[tilespmem:$0x1C500] =	vst v63  }
0x7a: {  	s23 =	simm.s32 $0x10D00  }
0x7b: {  	[tilespmem:s23], [sflag:$0x2] =	stream.indirect_vreg.gather [hbm4b:s11+s12], $0x80, v3, vm0, $0xb8;
	[tilespmem:$0x1C500] =	vst v63  }
0x7c: {  	s24 =	simm.s32 $0x11500  }
0x7d: {  	[tilespmem:s24], [sflag:$0x2] =	stream.indirect_vreg.gather [hbm4b:s25+s12], $0x80, v3, vm0, $0xb8;
	[tilespmem:$0x1C500] =	vst v63  }
0x7e: {  	s25 =	simm.s32 $0x11D00  }
0x7f: {  	[tilespmem:s25], [sflag:$0x2] =	stream.indirect_vreg.gather [hbm4b:s26+s12], $0x80, v3, vm0, $0xb8;
	[tilespmem:$0x1C500] =	vst v63  }
0x80: {  	s26 =	simm.s32 $0x12500  }
0x81: {  	[tilespmem:s26], [sflag:$0x2] =	stream.indirect_vreg.gather [hbm4b:s28+s12], $0x80, v3, vm0, $0xb8;
	[tilespmem:$0x1C500] =	vst v63  }
0x82: {  	s28 =	simm.s32 $0x12D00  }
0x83: {  	[tilespmem:s28], [sflag:$0x2] =	stream.indirect_vreg.gather [hbm4b:s15+s12], $0x80, v3, vm0, $0xb8;
	[tilespmem:$0x1C500] =	vst v63  }
.Ltmp2:
0x84: {  	s31 =	simm.s32 $0x200;
	(pc) =	sbr.rel .LBB2_2-.Ltmp2, $4  }
0x85: {  	s4 =	simm.s32 $0x40;
	s29 =	simm.s32 $0x13500;
	s30 =	simm.s32 $0x13D00  }
0x86: {  	[tilespmem:s29], [sflag:$0x2] =	stream.indirect_vreg.gather [hbm4b:s16+s12], $0x80, v3, vm0, $0xb8;
	[tilespmem:$0x1C500] =	vst v63  }
0x87: {  	s1 =	simm.s32 $0x0;
	s23 =	simm.s32 $0x4008;
	s26 =	simm.s32 $0x0  }
0x88: {  	[tilespmem:s30], [sflag:$0x2] =	stream.indirect_vreg.gather [hbm4b:s17+s12], $0x80, v3, vm0, $0xb8;
	v3 =	vimm.f32 $0.0e+00;
	[tilespmem:$0x1C500] =	vst v63  }
.LBB2_5:
0x89: {  	v4 =	vld.msk [tilespmem:s31+$0xFFFFFF00], $0xf;
	_ =	sdelay $0x4  }
0x8a: {  	v5 =	vshll.u32 v4, $0x6  }
0x8b: {  	v4 =	vand.u32 $0x7, v4;
	v5 =	vand.u32 $0xFFFFFE00, v5  }
0x8c: {  	v4 =	vor.u32 v4, v5  }
0x8d: {  	v4 =	vperm.xlane v4, v1;
	_ =	sdelay $0x1  }
0x8e: {  	v4 =	vadd.s32 v2, v4;
	_ =	sdelay $0x3  }
0x8f: {  	s1 =	rddreg [dreg:$0x0];
	s3 =	simm.s32 $0x0;
	s2 =	simm.s32 $0x14500  }
0x90: {  	[tilespmem:s2], [sflag:$0x3] =	stream.indirect_vreg.gather [hbm4b:s1+s3], $0x80, v4, vm0, $0xb8;
	[tilespmem:$0x1C500] =	vst v63  }
0x91: {  	s15 =	rddreg [dreg:$0x6];
	s16 =	simm.s32 $0x14D00  }
0x92: {  	[tilespmem:s16], [sflag:$0x3] =	stream.indirect_vreg.gather [hbm4b:s15+s3], $0x80, v4, vm0, $0xb8;
	[tilespmem:$0x1C500] =	vst v63  }
0x93: {  	s17 =	rddreg [dreg:$0x7];
	s20 =	simm.s32 $0x15500  }
0x94: {  	[tilespmem:s20], [sflag:$0x3] =	stream.indirect_vreg.gather [hbm4b:s17+s3], $0x80, v4, vm0, $0xb8;
	[tilespmem:$0x1C500] =	vst v63  }
0x95: {  	s22 =	rddreg [dreg:$0x8];
	s24 =	simm.s32 $0x15D00  }
0x96: {  	[tilespmem:s24], [sflag:$0x3] =	stream.indirect_vreg.gather [hbm4b:s22+s3], $0x80, v4, vm0, $0xb8;
	[tilespmem:$0x1C500] =	vst v63  }
0x97: {  	s25 =	rddreg [dreg:$0x9];
	s28 =	simm.s32 $0x16500  }
0x98: {  	[tilespmem:s28], [sflag:$0x3] =	stream.indirect_vreg.gather [hbm4b:s25+s3], $0x80, v4, vm0, $0xb8;
	[tilespmem:$0x1C500] =	vst v63  }
0x99: {  	s29 =	rddreg [dreg:$0xa];
	s30 =	simm.s32 $0x16D00  }
0x9a: {  	[tilespmem:s30], [sflag:$0x3] =	stream.indirect_vreg.gather [hbm4b:s29+s3], $0x80, v4, vm0, $0xb8;
	[tilespmem:$0x1C500] =	vst v63  }
0x9b: {  	s5 =	simm.s32 $0x17500;
	s2 =	rddreg [dreg:$0xb]  }
0x9c: {  	[tilespmem:s5], [sflag:$0x3] =	stream.indirect_vreg.gather [hbm4b:s2+s3], $0x80, v4, vm0, $0xb8;
	[tilespmem:$0x1C500] =	vst v63  }
0x9d: {  	s6 =	rddreg [dreg:$0xc];
	s7 =	simm.s32 $0x17D00  }
0x9e: {  	[tilespmem:s7], [sflag:$0x3] =	stream.indirect_vreg.gather [hbm4b:s6+s3], $0x80, v4, vm0, $0xb8;
	[tilespmem:$0x1C500] =	vst v63  }
0x9f: {  	s8 =	rddreg [dreg:$0xd];
	s9 =	simm.s32 $0x18500  }
0xa0: {  	[tilespmem:s9], [sflag:$0x3] =	stream.indirect_vreg.gather [hbm4b:s8+s3], $0x80, v4, vm0, $0xb8;
	[tilespmem:$0x1C500] =	vst v63  }
0xa1: {  	s11 =	rddreg [dreg:$0xe];
	s12 =	simm.s32 $0x18D00  }
0xa2: {  	[tilespmem:s12], [sflag:$0x3] =	stream.indirect_vreg.gather [hbm4b:s11+s3], $0x80, v4, vm0, $0xb8;
	[tilespmem:$0x1C500] =	vst v63  }
0xa3: {  	s13 =	rddreg [dreg:$0xf];
	s14 =	simm.s32 $0x19500  }
0xa4: {  	[tilespmem:s14], [sflag:$0x3] =	stream.indirect_vreg.gather [hbm4b:s13+s3], $0x80, v4, vm0, $0xb8;
	[tilespmem:$0x1C500] =	vst v63  }
0xa5: {  	s15 =	rddreg [dreg:$0x10];
	s16 =	simm.s32 $0x19D00  }
0xa6: {  	[tilespmem:s16], [sflag:$0x3] =	stream.indirect_vreg.gather [hbm4b:s15+s3], $0x80, v4, vm0, $0xb8;
	[tilespmem:$0x1C500] =	vst v63  }
0xa7: {  	s17 =	rddreg [dreg:$0x11];
	s20 =	simm.s32 $0x1A500  }
0xa8: {  	[tilespmem:s20], [sflag:$0x3] =	stream.indirect_vreg.gather [hbm4b:s17+s3], $0x80, v4, vm0, $0xb8;
	[tilespmem:$0x1C500] =	vst v63  }
0xa9: {  	s22 =	rddreg [dreg:$0x12];
	s24 =	simm.s32 $0x1AD00  }
0xaa: {  	[tilespmem:s24], [sflag:$0x3] =	stream.indirect_vreg.gather [hbm4b:s22+s3], $0x80, v4, vm0, $0xb8;
	[tilespmem:$0x1C500] =	vst v63  }
0xab: {  	s25 =	rddreg [dreg:$0x13];
	s28 =	simm.s32 $0x1B500  }
0xac: {  	[tilespmem:s28], [sflag:$0x3] =	stream.indirect_vreg.gather [hbm4b:s25+s3], $0x80, v4, vm0, $0xb8;
	[tilespmem:$0x1C500] =	vst v63  }
0xad: {  	s29 =	rddreg [dreg:$0x14];
	s30 =	simm.s32 $0x1BD00  }
0xae: {  	[tilespmem:s30], [sflag:$0x3] =	stream.indirect_vreg.gather [hbm4b:s29+s3], $0x80, v4, vm0, $0xb8;
	[tilespmem:$0x1C500] =	vst v63  }
.LBB2_6:
0xaf: {  	v4 =	vld [tilespmem:s23+$0xFFFFFFF8];
	_ =	sdelay $0x4  }
0xb0: {  	(v2sf) =	vpush v4, $0x0;
	_ =	sdelay $0x1  }
0xb1: {  	(v2sf) =	vpush v4, $0x1;
	_ =	sdelay $0x1  }
0xb2: {  	(v2sf) =	vpush v4, $0x2  }
0xb3: {  	(v2sf) =	vpush v4, $0x3;
	_ =	sdelay $0x9  }
0xb4: {  	s2 =	spop (v2sf)  }
0xb5: {  	s0 =	sadd.s32 $0x1000, s0;
	[dreg:$0x19] =	wrdreg s2;
	s1 =	sshll.u32 s2, $0x2  }
0xb6: {  	s3 =	sand.u32 $0x70, s2;
	s22 =	spop (v2sf);
	s1 =	sand.u32 $0x7E00, s1  }
0xb7: {  	[dreg:$0x1a] =	wrdreg s22;
	s24 =	sshll.u32 s22, $0x2;
	s5 =	sand.u32 $0x70, s22  }
0xb8: {  	s6 =	spop (v2sf);
	s1 =	sor.u32 s3, s1;
	s3 =	sand.u32 $0x7E00, s24  }
0xb9: {  	s24 =	sshll.u32 s6, $0x2;
	s25 =	spop (v2sf);
	s28 =	sand.u32 $0x70, s6  }
0xba: {  	s5 =	sor.u32 s5, s3;
	v7 =	vld [tilespmem:s1+$0x4500];
	s24 =	sand.u32 $0x7E00, s24;
	s29 =	sshll.u32 s25, $0x2  }
0xbb: {  	s30 =	sand.u32 $0x70, s25;
	v6 =	vld [tilespmem:s5+$0x4580];
	s1 =	sor.u32 s28, s24;
	s2 =	sand.u32 $0x7E00, s29  }
0xbc: {  	[dreg:$0x1c] =	wrdreg s25;
	s5 =	simm.s32 $0x2;
	v5 =	vld [tilespmem:s1+$0x4600];
	s3 =	sor.u32 s30, s2  }
0xbd: {  	s7 =	sand.u32 $0x40, s4;
	p0 =	seq.s32 s26, $0x7E000;
	v4 =	vld [tilespmem:s3+$0x4680];
	_ =	swait.ge [sflag:s5], $0x8000  }
0xbe: {  	s0 =	sand.u32 $0x1FFE000, s0;
	s1 =	sadd.s32 s10, s7;
	[sflag:s5] =	ssyncset.done $0x0  }
0xbf: {  	s8 =	simm.s32 $0xC500;
	s0 =	sadd.s32 s0, s1;
	[sflag:s5] =	ssyncadd.s32 $0xFFFF8000  }
0xc0: {  	[hbm4b:s0+s21] =	stream.strided.scatter [tilespmem:s8], [sflag:$0x5], $0x8000, s19, s21, $0x38;
	[tilespmem:$0x1C500] =	vst v63  }
0xc1: {  	s0 =	simm.s32 @!p0 $0x4  }
0xc2: {  	_ =	swait.ge @!p0 [sflag:s0], $0x8000  }
0xc3: {  	[sflag:s0] =	ssyncset.done @!p0 $0x0  }
0xc4: {  	[sflag:s0] =	ssyncadd.s32 @!p0 $0xFFFF8000  }
0xc5: {  	v8 =	vld.msk @!p0 [tilespmem:s31+$0xFFFFFF80], $0xf;
	_ =	sdelay $0x4  }
0xc6: {  	v9 =	vshll.u32 @!p0 v8, $0x6  }
0xc7: {  	v10 =	vlaneseq.u32 @!p0;
	v8 =	vand.u32 @!p0 $0x7, v8;
	v9 =	vand.u32 @!p0 $0xFFFFFE00, v9  }
0xc8: {  	v11 =	vand.u32 @!p0 $0x3, v10;
	v8 =	vor.u32 @!p0 v8, v9;
	v9 =	vshrl.u32 @!p0 v10, $0x2  }
0xc9: {  	v8 =	vperm.xlane @!p0 v8, v11;
	v12 =	vmul.u32 @!p0 $0x8, v9;
	_ =	sdelay $0x1  }
0xca: {  	v8 =	vadd.s32 @!p0 v12, v8;
	_ =	sdelay $0x3  }
0xcb: {  	vm1 =	vmmov @!p0 $0xffff;
	s1 =	simm.s32 @!p0 $0x4500;
	s0 =	simm.s32 @!p0 $0x0;
	s11 =	rddreg [dreg:$0x0]  }
0xcc: {  	[tilespmem:s1], [sflag:$0x1] =	stream.indirect_vreg.gather @!p0 [hbm4b:s11+s0], $0x80, v8, vm1, $0xb8;
	[tilespmem:$0x1C500] =	vst v63  }
0xcd: {  	s13 =	rddreg [dreg:$0x6];
	s1 =	simm.s32 @!p0 $0x4D00  }
0xce: {  	[tilespmem:s1], [sflag:$0x1] =	stream.indirect_vreg.gather @!p0 [hbm4b:s13+s0], $0x80, v8, vm1, $0xb8;
	[tilespmem:$0x1C500] =	vst v63  }
0xcf: {  	s14 =	rddreg [dreg:$0x7];
	s1 =	simm.s32 @!p0 $0x5500  }
0xd0: {  	[tilespmem:s1], [sflag:$0x1] =	stream.indirect_vreg.gather @!p0 [hbm4b:s14+s0], $0x80, v8, vm1, $0xb8;
	[tilespmem:$0x1C500] =	vst v63  }
0xd1: {  	s15 =	rddreg [dreg:$0x8];
	s1 =	simm.s32 @!p0 $0x5D00  }
0xd2: {  	[tilespmem:s1], [sflag:$0x1] =	stream.indirect_vreg.gather @!p0 [hbm4b:s15+s0], $0x80, v8, vm1, $0xb8;
	[tilespmem:$0x1C500] =	vst v63  }
0xd3: {  	s16 =	rddreg [dreg:$0x9];
	s1 =	simm.s32 @!p0 $0x6500  }
0xd4: {  	[tilespmem:s1], [sflag:$0x1] =	stream.indirect_vreg.gather @!p0 [hbm4b:s16+s0], $0x80, v8, vm1, $0xb8;
	[tilespmem:$0x1C500] =	vst v63  }
0xd5: {  	s17 =	rddreg [dreg:$0xa];
	s1 =	simm.s32 @!p0 $0x6D00  }
0xd6: {  	[tilespmem:s1], [sflag:$0x1] =	stream.indirect_vreg.gather @!p0 [hbm4b:s17+s0], $0x80, v8, vm1, $0xb8;
	[tilespmem:$0x1C500] =	vst v63  }
0xd7: {  	s3 =	smov.u32 s18;
	s18 =	rddreg [dreg:$0xb];
	s1 =	simm.s32 @!p0 $0x7500  }
0xd8: {  	[tilespmem:s1], [sflag:$0x1] =	stream.indirect_vreg.gather @!p0 [hbm4b:s18+s0], $0x80, v8, vm1, $0xb8;
	[tilespmem:$0x1C500] =	vst v63  }
0xd9: {  	s19 =	rddreg [dreg:$0xc];
	s1 =	simm.s32 @!p0 $0x7D00  }
0xda: {  	[tilespmem:s1], [sflag:$0x1] =	stream.indirect_vreg.gather @!p0 [hbm4b:s19+s0], $0x80, v8, vm1, $0xb8;
	[tilespmem:$0x1C500] =	vst v63  }
0xdb: {  	s20 =	rddreg [dreg:$0xd];
	s1 =	simm.s32 @!p0 $0x8500  }
0xdc: {  	[tilespmem:s1], [sflag:$0x1] =	stream.indirect_vreg.gather @!p0 [hbm4b:s20+s0], $0x80, v8, vm1, $0xb8;
	[tilespmem:$0x1C500] =	vst v63  }
0xdd: {  	s21 =	rddreg [dreg:$0xe];
	s1 =	simm.s32 @!p0 $0x8D00  }
0xde: {  	[tilespmem:s1], [sflag:$0x1] =	stream.indirect_vreg.gather @!p0 [hbm4b:s21+s0], $0x80, v8, vm1, $0xb8;
	[tilespmem:$0x1C500] =	vst v63  }
0xdf: {  	s11 =	smov.u32 s4;
	s4 =	rddreg [dreg:$0xf];
	s1 =	simm.s32 @!p0 $0x9500  }
0xe0: {  	[tilespmem:s1], [sflag:$0x1] =	stream.indirect_vreg.gather @!p0 [hbm4b:s4+s0], $0x80, v8, vm1, $0xb8;
	[tilespmem:$0x1C500] =	vst v63  }
0xe1: {  	s28 =	rddreg [dreg:$0x10];
	s1 =	simm.s32 @!p0 $0x9D00  }
0xe2: {  	[tilespmem:s1], [sflag:$0x1] =	stream.indirect_vreg.gather @!p0 [hbm4b:s28+s0], $0x80, v8, vm1, $0xb8;
	[tilespmem:$0x1C500] =	vst v63  }
0xe3: {  	s22 =	rddreg [dreg:$0x11];
	s1 =	simm.s32 @!p0 $0xA500  }
0xe4: {  	[tilespmem:s1], [sflag:$0x1] =	stream.indirect_vreg.gather @!p0 [hbm4b:s22+s0], $0x80, v8, vm1, $0xb8;
	[tilespmem:$0x1C500] =	vst v63  }
0xe5: {  	s25 =	rddreg [dreg:$0x12];
	s1 =	simm.s32 @!p0 $0xAD00  }
0xe6: {  	[tilespmem:s1], [sflag:$0x1] =	stream.indirect_vreg.gather @!p0 [hbm4b:s25+s0], $0x80, v8, vm1, $0xb8;
	[tilespmem:$0x1C500] =	vst v63  }
0xe7: {  	s30 =	rddreg [dreg:$0x13];
	s1 =	simm.s32 @!p0 $0xB500  }
0xe8: {  	[tilespmem:s1], [sflag:$0x1] =	stream.indirect_vreg.gather @!p0 [hbm4b:s30+s0], $0x80, v8, vm1, $0xb8;
	[tilespmem:$0x1C500] =	vst v63  }
0xe9: {  	s2 =	rddreg [dreg:$0x14];
	s1 =	simm.s32 @!p0 $0xBD00  }
0xea: {  	[tilespmem:s1], [sflag:$0x1] =	stream.indirect_vreg.gather @!p0 [hbm4b:s2+s0], $0x80, v8, vm1, $0xb8;
	[tilespmem:$0x1C500] =	vst v63  }
0xeb: {  	v8 =	vld [tilespmem:s23+$0x0];
	_ =	sdelay $0x4  }
0xec: {  	(v2sf) =	vpush v8, $0x0;
	_ =	sdelay $0x1  }
0xed: {  	(v2sf) =	vpush v8, $0x1;
	_ =	sdelay $0x1  }
0xee: {  	(v2sf) =	vpush v8, $0x2  }
0xef: {  	(v2sf) =	vpush v8, $0x3;
	_ =	sdelay $0x9  }
0xf0: {  	s5 =	spop (v2sf)  }
0xf1: {  	s9 =	sshll.u32 s5, $0x2  }
0xf2: {  	s12 =	sand.u32 $0x70, s5;
	s24 =	spop (v2sf);
	s1 =	sand.u32 $0x7E00, s9  }
0xf3: {  	s29 =	sshll.u32 s24, $0x2;
	s8 =	sand.u32 $0x70, s24;
	s7 =	sor.u32 s12, s1  }
0xf4: {  	s1 =	sand.u32 $0x7E00, s29;
	s29 =	spop (v2sf);
	s12 =	smov.u32 s10  }
0xf5: {  	s8 =	sor.u32 s8, s1;
	s9 =	sshll.u32 s29, $0x2;
	s1 =	spop (v2sf)  }
0xf6: {  	v13 =	vld [tilespmem:s7+$0xC500];
	s7 =	sand.u32 $0x70, s29;
	s9 =	sand.u32 $0x7E00, s9;
	s10 =	sshll.u32 s1, $0x2  }
0xf7: {  	v46 =	vld [tilespmem:s8+$0xC580];
	s7 =	sor.u32 s7, s9;
	s9 =	sand.u32 $0x70, s1;
	s10 =	sand.u32 $0x7E00, s10  }
0xf8: {  	s8 =	sadd.s32 @!p0 s26, s3;
	v47 =	vld [tilespmem:s7+$0xC600];
	s10 =	sor.u32 s9, s10;
	s7 =	simm.s32 @!p0 $0x3  }
0xf9: {  	s8 =	sadd.s32 @!p0 $0x2000, s8;
	v48 =	vld [tilespmem:s10+$0xC680];
	_ =	swait.ge @!p0 [sflag:s7], $0x8000  }
0xfa: {  	s8 =	sand.u32 @!p0 $0x1FFE000, s8;
	[sflag:s7] =	ssyncset.done @!p0 $0x0  }
0xfb: {  	s9 =	simm.s32 @!p0 $0x400;
	[sflag:s7] =	ssyncadd.s32 @!p0 $0xFFFF8000;
	s7 =	rddreg [dreg:$0x1b]  }
0xfc: {  	s10 =	simm.s32 @!p0 $0x14500;
	s7 =	sadd.s32 @!p0 s8, s7;
	s8 =	simm.s32 @!p0 $0x200  }
0xfd: {  	[hbm4b:s7+s8] =	stream.strided.scatter @!p0 [tilespmem:s10], [sflag:$0x6], $0x8000, s9, s8, $0x38;
	[tilespmem:$0x1C500] =	vst v63  }
0xfe: {  	s7 =	simm.s32 @!p0 $0x5  }
0xff: {  	_ =	swait.ge @!p0 [sflag:s7], $0x8000  }
0x100: {  	[sflag:s7] =	ssyncset.done @!p0 $0x0  }
0x101: {  	[sflag:s7] =	ssyncadd.s32 @!p0 $0xFFFF8000  }
0x102: {  	v14 =	vld.msk @!p0 [tilespmem:s31+$0x0], $0xf;
	_ =	sdelay $0x4  }
0x103: {  	v15 =	vshll.u32 @!p0 v14, $0x6  }
0x104: {  	v14 =	vand.u32 @!p0 $0x7, v14;
	v15 =	vand.u32 @!p0 $0xFFFFFE00, v15  }
0x105: {  	v14 =	vor.u32 @!p0 v14, v15  }
0x106: {  	v11 =	vperm.xlane @!p0 v14, v11;
	_ =	sdelay $0x1  }
0x107: {  	v11 =	vadd.s32 @!p0 v12, v11;
	_ =	sdelay $0x3  }
0x108: {  	s7 =	simm.s32 @!p0 $0xC500;
	s8 =	rddreg [dreg:$0x0]  }
0x109: {  	[tilespmem:s7], [sflag:$0x2] =	stream.indirect_vreg.gather @!p0 [hbm4b:s8+s0], $0x80, v11, vm1, $0xb8;
	[tilespmem:$0x1C500] =	vst v63  }
0x10a: {  	s7 =	simm.s32 @!p0 $0xCD00  }
0x10b: {  	[tilespmem:s7], [sflag:$0x2] =	stream.indirect_vreg.gather @!p0 [hbm4b:s13+s0], $0x80, v11, vm1, $0xb8;
	[tilespmem:$0x1C500] =	vst v63  }
0x10c: {  	s7 =	simm.s32 @!p0 $0xD500  }
0x10d: {  	[tilespmem:s7], [sflag:$0x2] =	stream.indirect_vreg.gather @!p0 [hbm4b:s14+s0], $0x80, v11, vm1, $0xb8;
	[tilespmem:$0x1C500] =	vst v63  }
0x10e: {  	s7 =	simm.s32 @!p0 $0xDD00  }
0x10f: {  	[tilespmem:s7], [sflag:$0x2] =	stream.indirect_vreg.gather @!p0 [hbm4b:s15+s0], $0x80, v11, vm1, $0xb8;
	[tilespmem:$0x1C500] =	vst v63  }
0x110: {  	s7 =	simm.s32 @!p0 $0xE500  }
0x111: {  	[tilespmem:s7], [sflag:$0x2] =	stream.indirect_vreg.gather @!p0 [hbm4b:s16+s0], $0x80, v11, vm1, $0xb8;
	[tilespmem:$0x1C500] =	vst v63  }
0x112: {  	s7 =	simm.s32 @!p0 $0xED00  }
0x113: {  	[tilespmem:s7], [sflag:$0x2] =	stream.indirect_vreg.gather @!p0 [hbm4b:s17+s0], $0x80, v11, vm1, $0xb8;
	[tilespmem:$0x1C500] =	vst v63  }
0x114: {  	s7 =	simm.s32 @!p0 $0xF500  }
0x115: {  	[tilespmem:s7], [sflag:$0x2] =	stream.indirect_vreg.gather @!p0 [hbm4b:s18+s0], $0x80, v11, vm1, $0xb8;
	[tilespmem:$0x1C500] =	vst v63  }
0x116: {  	s7 =	simm.s32 @!p0 $0xFD00  }
0x117: {  	[tilespmem:s7], [sflag:$0x2] =	stream.indirect_vreg.gather @!p0 [hbm4b:s19+s0], $0x80, v11, vm1, $0xb8;
	[tilespmem:$0x1C500] =	vst v63  }
0x118: {  	s7 =	simm.s32 @!p0 $0x10500  }
0x119: {  	[tilespmem:s7], [sflag:$0x2] =	stream.indirect_vreg.gather @!p0 [hbm4b:s20+s0], $0x80, v11, vm1, $0xb8;
	[tilespmem:$0x1C500] =	vst v63  }
0x11a: {  	s7 =	simm.s32 @!p0 $0x10D00  }
0x11b: {  	[tilespmem:s7], [sflag:$0x2] =	stream.indirect_vreg.gather @!p0 [hbm4b:s21+s0], $0x80, v11, vm1, $0xb8;
	[tilespmem:$0x1C500] =	vst v63  }
0x11c: {  	s7 =	simm.s32 @!p0 $0x11500  }
0x11d: {  	[tilespmem:s7], [sflag:$0x2] =	stream.indirect_vreg.gather @!p0 [hbm4b:s4+s0], $0x80, v11, vm1, $0xb8;
	[tilespmem:$0x1C500] =	vst v63  }
0x11e: {  	s7 =	simm.s32 @!p0 $0x11D00  }
0x11f: {  	[tilespmem:s7], [sflag:$0x2] =	stream.indirect_vreg.gather @!p0 [hbm4b:s28+s0], $0x80, v11, vm1, $0xb8;
	[tilespmem:$0x1C500] =	vst v63  }
0x120: {  	s7 =	simm.s32 @!p0 $0x12500  }
0x121: {  	[tilespmem:s7], [sflag:$0x2] =	stream.indirect_vreg.gather @!p0 [hbm4b:s22+s0], $0x80, v11, vm1, $0xb8;
	[tilespmem:$0x1C500] =	vst v63  }
0x122: {  	s7 =	simm.s32 @!p0 $0x12D00  }
0x123: {  	[tilespmem:s7], [sflag:$0x2] =	stream.indirect_vreg.gather @!p0 [hbm4b:s25+s0], $0x80, v11, vm1, $0xb8;
	[tilespmem:$0x1C500] =	vst v63  }
0x124: {  	s7 =	simm.s32 @!p0 $0x13500  }
0x125: {  	[tilespmem:s7], [sflag:$0x2] =	stream.indirect_vreg.gather @!p0 [hbm4b:s30+s0], $0x80, v11, vm1, $0xb8;
	[tilespmem:$0x1C500] =	vst v63  }
0x126: {  	s7 =	simm.s32 @!p0 $0x13D00  }
0x127: {  	[tilespmem:s7], [sflag:$0x2] =	stream.indirect_vreg.gather @!p0 [hbm4b:s2+s0], $0x80, v11, vm1, $0xb8;
	[tilespmem:$0x1C500] =	vst v63  }
0x128: {  	v11 =	vld [tilespmem:s23+$0x8];
	_ =	sdelay $0x4  }
0x129: {  	(v2sf) =	vpush v11, $0x0;
	_ =	sdelay $0x1  }
0x12a: {  	(v2sf) =	vpush v11, $0x1;
	_ =	sdelay $0x1  }
0x12b: {  	(v2sf) =	vpush v11, $0x2;
	_ =	sdelay $0x1  }
0x12c: {  	(v2sf) =	vpush v11, $0x3;
	_ =	sdelay $0x5  }
0x12d: {  	s17 =	rddreg [dreg:$0x19]  }
0x12e: {  	s6 =	sand.u32 $0xF, s6;
	s5 =	sand.u32 $0xF, s5;
	s22 =	rddreg [dreg:$0x1a]  }
0x12f: {  	s1 =	sand.u32 $0xF, s1;
	s20 =	sand.u32 $0xF, s17;
	s25 =	sand.u32 $0xF, s22  }
0x130: {  	v7 =	vadd.f32 $0.0e+00, v7;
	s10 =	smov.u32 s12;
	v49 =	vmov s20;
	s28 =	rddreg [dreg:$0x1c];
	v50 =	vmov s25;
	s7 =	spop (v2sf)  }
0x131: {  	v51 =	vmov s6;
	s18 =	smov.u32 s3;
	s30 =	sand.u32 $0xF, s28;
	vm2 =	veq.s32 v50, v0;
	vm1 =	veq.s32 v49, v0;
	s4 =	sshll.u32 s7, $0x2  }
0x132: {  	v16 =	vmov s5;
	v6 =	vnsel vm2, $0x0, v6;
	v7 =	vnsel vm1, $0x0, v7;
	s16 =	spop (v2sf);
	s5 =	sand.u32 $0x70, s7;
	s8 =	sand.u32 $0x7E00, s4  }
0x133: {  	v55 =	vmov s1;
	s2 =	sand.u32 $0xF, s24;
	vm1 =	veq.s32 v51, v0;
	v6 =	vadd.f32 v6, v7;
	s9 =	sshll.u32 s16, $0x2;
	s3 =	sor.u32 s5, s8  }
0x134: {  	v13 =	vadd.f32 $0.0e+00, v13;
	v52 =	vmov s30;
	v5 =	vnsel vm1, $0x0, v5;
	s12 =	sand.u32 $0x70, s16;
	s14 =	spop (v2sf);
	s13 =	sand.u32 $0x7E00, s9;
	v54 =	vld [tilespmem:s3+$0x14500]  }
0x135: {  	s15 =	sand.u32 $0xF, s29;
	v17 =	vmov s2;
	vm1 =	veq.s32 v52, v0;
	v5 =	vadd.f32 v6, v5;
	s20 =	sshll.u32 s14, $0x2;
	s5 =	sor.u32 s12, s13  }
0x136: {  	vm2 =	veq.s32 v17, v0;
	v4 =	vnsel vm1, $0x0, v4;
	vm1 =	veq.s32 v16, v0;
	s22 =	spop (v2sf);
	s24 =	sand.u32 $0x70, s14;
	s1 =	sand.u32 $0x7E00, s20;
	v19 =	vld [tilespmem:s5+$0x14580]  }
0x137: {  	v10 =	vnsel vm2, $0x0, v46;
	v4 =	vadd.f32 v5, v4;
	v5 =	vnsel vm1, $0x0, v13;
	s0 =	sand.u32 $0xF, s7;
	s28 =	sshll.u32 s22, $0x2;
	s1 =	sor.u32 s24, s1  }
0x138: {  	v53 =	vmov s15;
	v5 =	vadd.f32 v10, v5;
	s16 =	sand.u32 $0xF, s16;
	v56 =	vmov s0;
	s29 =	sand.u32 $0x70, s22;
	s0 =	sand.u32 $0x7E00, s28;
	v20 =	vld [tilespmem:s1+$0x14600]  }
0x139: {  	v18 =	vmov s16;
	s17 =	sand.u32 $0xF, s14;
	vm1 =	veq.s32 v56, v0;
	s25 =	sand.u32 $0xF, s22;
	s0 =	sor.u32 s29, s0;
	v12 =	vadd.f32 $0.0e+00, v54  }
0x13a: {  	v57 =	vmov s17;
	vm2 =	veq.s32 v18, v0;
	v58 =	vmov s25;
	v59 =	vld [tilespmem:s0+$0x14680]  }
0x13b: {  	v61 =	vnsel vm2, $0x0, v19;
	v60 =	vnsel vm1, $0x0, v12;
	vm1 =	veq.s32 v53, v0  }
0x13c: {  	vm2 =	veq.s32 v57, v0;
	v10 =	vadd.f32 v61, v60;
	v62 =	vnsel vm1, $0x0, v47  }
0x13d: {  	v63 =	vnsel vm2, $0x0, v20;
	vm1 =	veq.s32 v55, v0;
	v5 =	vadd.f32 v5, v62  }
0x13e: {  	v7 =	vnsel vm1, $0x0, v48;
	vm1 =	veq.s32 v58, v0;
	v6 =	vadd.f32 v10, v63  }
0x13f: {  	v3 =	vadd.f32 v4, v3;
	v4 =	vadd.f32 v5, v7;
	v5 =	vnsel vm1, $0x0, v59  }
0x140: {  	v5 =	vadd.f32 v6, v5  }
0x141: {  	s26 =	sadd.s32 $0x3000, s26  }
0x142: {  	v3 =	vadd.f32 v4, v3;
	v4 =	vpsel p0, $0x0, v5;
	p0 =	sne.s32 s26, $0x81000  }
.Ltmp3:
0x143: {  	_ = 	snop;
	(pc) =	sbr.rel @!p0 .LBB2_7-.Ltmp3, $4  }
0x144: {  	_ = 	snop  }
0x145: {  	s31 =	sadd.s32 $0x180, s31  }
0x146: {  	s19 =	simm.s32 $0x400;
	s21 =	simm.s32 $0x200;
	s30 =	rddreg [dreg:$0x18]  }
0x147: {  	s23 =	sadd.s32 $0x18, s23;
	s4 =	sadd.s32 $0xC0, s11;
	s1 =	sadd.s32 $0x40, s30;
	v3 =	vadd.f32 v4, v3  }
.LBB2_2:
0x148: {  	s2 =	simm.s32 $0x1;
	p0 =	seq.s32 s26, $0x0  }
.Ltmp4:
0x149: {  	s0 =	sadd.s32 s26, s18;
	s29 =	sand.u32 $0x40, s1;
	(pc) =	sbr.rel @p0 .LBB2_5-.Ltmp4, $4  }
0x14a: {  	s30 =	simm.s32 $0x4500;
	_ =	swait.ge [sflag:s2], $0x8000;
	[dreg:$0x18] =	wrdreg s1  }
0x14b: {  	s3 =	sand.u32 $0x1FFE000, s0;
	s1 =	sadd.s32 s10, s29;
	[sflag:s2] =	ssyncset.done $0x0  }
0x14c: {  	[dreg:$0x1b] =	wrdreg s1;
	s1 =	sadd.s32 s3, s1;
	[sflag:s2] =	ssyncadd.s32 $0xFFFF8000  }
0x14d: {  	[hbm4b:s1+s21] =	stream.strided.scatter [tilespmem:s30], [sflag:$0x4], $0x8000, s19, s21, $0x38;
	[tilespmem:$0x1C500] =	vst v63  }
0x14e: {  	p0 =	seq.s32 s26, $0x7E000  }
.Ltmp5:
0x14f: {  	_ = 	snop;
	(pc) =	sbr.rel @p0 .LBB2_6-.Ltmp5, $1  }
0x150: {  	_ =	sdelay $0x3  }
.Ltmp6:
0x151: {  	(pc) =	sbr.rel .LBB2_5-.Ltmp6, $4  }
0x152: {  	s1 =	simm.s32 $0x6  }
0x153: {  	_ =	swait.ge [sflag:s1], $0x8000  }
0x154: {  	[sflag:s1] =	ssyncset.done $0x0  }
0x155: {  	[sflag:s1] =	ssyncadd.s32 $0xFFFF8000  }
.LBB2_8:
0x156: {  	_ =	sfence.sel $0x180000  }
0x157: {  	[bflag:$0x0] =	sbarrier.arrive $0xFFFF  }
0x158: {  	_ =	strace $0x90000047  }
0x159: {  	s0 =	stileid.u32;
	[bflag:$0x2] =	sbarrier.arrive $0xFFFF  }
0x15a: {  	p0 =	sne.s32 s0, $0x0;
	s0 =	rddreg [dreg:$0x3]  }
0x15b: {  	s0 =	sadd.s32 @!p0 $0x100000, s0  }
0x15c: {  	[sflag:s0] =	ssyncadd.tile.s32 @!p0 $0x1;
	_ =	shalt  }
.Lfunc_end2:
_tile_overlayer_lowered:
.L_overlay_start_2:
0x15d: {  	(tag) =	ssettag $0x2  }
0x15e: {  	s0 =	rddreg [dreg:$0x0];
	s2 =	stileid.u32  }
0x15f: {  	s1 =	rddreg [dreg:$0x1];
	p0 =	sne.s32 s2, $0x0  }
0x160: {  	s3 =	rddreg [dreg:$0x2];
	[bflag:$0x3] =	sbarrier.arrive $0xFFFF;
	s2 =	simm.s32 @!p0 $0x1C07  }
0x161: {  	[timem:s3], [sflag:s2] =	dma.local @!p0 [hbm:s0], s1  }
0x162: {  	s0 =	simm.s32 @!p0 $0x7  }
0x163: {  	_ =	swait.ge @!p0 [sflag:s0], s1  }
0x164: {  	s1 =	ssub.s32 @!p0 $0x0, s1;
	[sflag:s0] =	ssyncset.done @!p0 $0x0  }
0x165: {  	[sflag:s0] =	ssyncadd.s32 @!p0 s1  }
0x166: {  	[bflag:$0x3] =	sbarrier.arrive $0xFFFF  }
0x167: {  	_ =	shalt  }

// kernel: kernel.8.cloned.1.call-start
scs
__scs_entry_jumppad:
0x0: {  	(pc) =	sbr.rel $0x88, $3  }
0x1: {  	(tag) =	ssettag $0x0;
	lr =	simm.s32 $0x1  }
0x2: {  	[smem:$0x3F9E] =	sst lr;
	_ =	strace $0xD0000000  }
0x3: {  	_ = 	snop  }
0x4: {  	_ = 	snop  }
0x5: {  	_ = 	snop  }
0x6: {  	_ = 	snop  }
0x7: {  	_ = 	snop  }
__scs_overlays_trampoline_lowered:
0x8: {  	[smem:$0x3FAD] =	sst s0  }
0x9: {  	[smem:$0x3FAE] =	sst s1  }
0xa: {  	[smem:$0x3FAF] =	sst s2  }
0xb: {  	[smem:$0x3FB0] =	sst s3  }
0xc: {  	[smem:$0x3FB1] =	sst s4  }
0xd: {  	[smem:$0x3FB2] =	sst s5  }
0xe: {  	[smem:$0x3FB3] =	sst s6  }
0xf: {  	[smem:$0x3FB4] =	sst s7  }
0x10: {  	[smem:$0x3FB5] =	sst s8  }
0x11: {  	[smem:$0x3FB6] =	sst s9;
	s0 =	simm.s32 @!p0 $0x0  }
0x12: {  	s1 =	sld [smem:$0x3F9C];
	s0 =	simm.s32 @p0 $0x1  }
0x13: {  	[smem:$0x3FB7] =	sst s0;
	s0 =	simm.s32 @!p1 $0x0  }
0x14: {  	s2 =	sld [smem:$0x3F9B];
	s0 =	simm.s32 @p1 $0x1  }
0x15: {  	[smem:$0x3FB8] =	sst s0;
	s0 =	simm.s32 @!p2 $0x0  }
0x16: {  	s3 =	sld [smem:$0x3FDB];
	s0 =	simm.s32 @p2 $0x1  }
0x17: {  	s4 =	simm.s32 $0x1BF5;
	[smem:$0x3FBA] =	sst s0  }
0x18: {  	s0 =	sld [smem:$0x3F9D];
	_ =	swait.ge [sflag:s4], $0x0  }
0x19: {  	s7 =	sld [smem:$0x3F9E]  }
0x1a: {  	s8 =	sadd.s32 $0xFFFFE003, lr  }
0x1b: {  	s9 =	sadd.s32 $0xFFFFFEF7, lr;
	s5 =	simm.s32 $0xFFFFFFFF;
	p2 =	slt.u32 s8, $0xFFFFF086  }
0x1c: {  	p1 =	slt.u32 s9, $0xF7A;
	s5 =	simm.s32 @!p2 $0x0  }
0x1d: {  	s5 =	simm.s32 @p1 $0x1;
	p0 =	seq.s32 s7, s2  }
0x1e: {  	s7 =	smul.u32 @!p0 $0xF7A, s2;
	p2 =	seq.s32 @!p0 s5, $0x0  }
0x1f: {  	s9 =	smul.u32 $0xF7A, s1;
	s8 =	simm.s32 @!p0 $0x1BF5;
	p2 =	por !p2, p0  }
0x20: {  	[sflag:s8] =	ssyncset.s32 @!p0 $0xFFFFF086;
	s6 =	sadd.s32 @!p0 s3, s7;
	s7 =	simm.s32 @!p0 $0x108  }
0x21: {  	s3 =	sadd.s32 s3, s9;
	s6 =	sadd.s32 @!p0 $0x88, s6;
	s7 =	simm.s32 @p2 $0x1082  }
0x22: {  	[simem:s7], [sflag:s8] =	dma.local @!p0 [hbm:s6], $0xF7A  }
0x23: {  	s9 =	sor.u32 $0xD0000000, s2;
	s6 =	simm.s32 $0x108;
	_ =	swait.ge @!p0 [sflag:s8], $0x0  }
0x24: {  	s3 =	sadd.s32 $0x88, s3;
	s6 =	simm.s32 @!p1 $0x1082;
	[sflag:s4] =	ssyncset.s32 $0xFFFFF086  }
0x25: {  	[simem:s6], [sflag:s4] =	dma.local [hbm:s3], $0xF7A  }
0x26: {  	[smem:$0x3F9E] =	sst s1;
	(tag) =	ssettag s2;
	_ =	strace s9  }
0x27: {  	s1 =	sld [smem:$0x3FAE]  }
0x28: {  	s2 =	sld [smem:$0x3FAF]  }
0x29: {  	s4 =	sld [smem:$0x3FB1]  }
0x2a: {  	p0 =	seq.s32 s5, $0x0;
	s5 =	sld [smem:$0x3FB2]  }
0x2b: {  	s6 =	sld [smem:$0x3FB3]  }
0x2c: {  	s7 =	sld [smem:$0x3FB4]  }
0x2d: {  	s3 =	simm.s32 $0x108;
	s8 =	sld [smem:$0x3FB5]  }
0x2e: {  	s3 =	simm.s32 @!p0 $0x1082;
	s9 =	sld [smem:$0x3FB6]  }
0x2f: {  	lr =	sadd.s32 s0, s3;
	s0 =	sld [smem:$0x3FAD]  }
0x30: {  	s3 =	sld [smem:$0x3FB0]  }
0x31: {  	[smem:$0x3FB9] =	sst s10  }
0x32: {  	s10 =	sld [smem:$0x3FB7];
	_ =	sdelay $0x3  }
0x33: {  	p0 =	seq.s32 s10, $0x1;
	s10 =	sld [smem:$0x3FB9];
	_ =	sdelay $0x3  }
0x34: {  	[smem:$0x3FB9] =	sst s10  }
0x35: {  	s10 =	sld [smem:$0x3FB8];
	_ =	sdelay $0x3  }
0x36: {  	p1 =	seq.s32 s10, $0x1;
	s10 =	sld [smem:$0x3FB9];
	_ =	sdelay $0x3  }
0x37: {  	[smem:$0x3FB9] =	sst s10  }
0x38: {  	s10 =	sld [smem:$0x3FBA]  }
0x39: {  	_ = 	snop;
	(pc) =	sbr.ind lr, $3  }
0x3a: {  	_ = 	snop  }
0x3b: {  	_ = 	snop  }
0x3c: {  	p2 =	seq.s32 s10, $0x1;
	s10 =	sld [smem:$0x3FB9]  }
0x3d: {  	_ =	shalt  }
0x3e: {  	_ =	shalt  }
0x3f: {  	_ =	shalt  }
0x40: {  	_ =	shalt  }
0x41: {  	_ =	shalt  }
0x42: {  	_ =	shalt  }
0x43: {  	_ =	shalt  }
0x44: {  	_ =	shalt  }
0x45: {  	_ =	shalt  }
0x46: {  	_ =	shalt  }
0x47: {  	_ =	shalt  }
0x48: {  	_ =	shalt  }
0x49: {  	_ =	shalt  }
0x4a: {  	_ =	shalt  }
0x4b: {  	_ =	shalt  }
0x4c: {  	_ =	shalt  }
0x4d: {  	_ =	shalt  }
0x4e: {  	_ =	shalt  }
0x4f: {  	_ =	shalt  }
0x50: {  	_ =	shalt  }
0x51: {  	_ =	shalt  }
0x52: {  	_ =	shalt  }
0x53: {  	_ =	shalt  }
0x54: {  	_ =	shalt  }
0x55: {  	_ =	shalt  }
0x56: {  	_ =	shalt  }
0x57: {  	_ =	shalt  }
0x58: {  	_ =	shalt  }
0x59: {  	_ =	shalt  }
0x5a: {  	_ =	shalt  }
0x5b: {  	_ =	shalt  }
0x5c: {  	_ =	shalt  }
0x5d: {  	_ =	shalt  }
0x5e: {  	_ =	shalt  }
0x5f: {  	_ =	shalt  }
0x60: {  	_ =	shalt  }
0x61: {  	_ =	shalt  }
0x62: {  	_ =	shalt  }
0x63: {  	_ =	shalt  }
0x64: {  	_ =	shalt  }
0x65: {  	_ =	shalt  }
0x66: {  	_ =	shalt  }
0x67: {  	_ =	shalt  }
0x68: {  	_ =	shalt  }
0x69: {  	_ =	shalt  }
0x6a: {  	_ =	shalt  }
0x6b: {  	_ =	shalt  }
0x6c: {  	_ =	shalt  }
0x6d: {  	_ =	shalt  }
0x6e: {  	_ =	shalt  }
0x6f: {  	_ =	shalt  }
0x70: {  	_ =	shalt  }
0x71: {  	_ =	shalt  }
0x72: {  	_ =	shalt  }
0x73: {  	_ =	shalt  }
0x74: {  	_ =	shalt  }
0x75: {  	_ =	shalt  }
0x76: {  	_ =	shalt  }
0x77: {  	_ =	shalt  }
0x78: {  	_ =	shalt  }
0x79: {  	_ =	shalt  }
0x7a: {  	_ =	shalt  }
0x7b: {  	_ =	shalt  }
0x7c: {  	_ =	shalt  }
0x7d: {  	_ =	shalt  }
0x7e: {  	_ =	shalt  }
0x7f: {  	_ =	shalt  }
0x80: {  	_ =	shalt  }
0x81: {  	_ =	shalt  }
0x82: {  	_ =	shalt  }
0x83: {  	_ =	shalt  }
0x84: {  	_ =	shalt  }
0x85: {  	_ =	shalt  }
0x86: {  	_ =	shalt  }
0x87: {  	_ =	shalt  }
.Lfunc_end0:
.L_simem_size_0:
called_computation.1_lowered:
.L_overlay_start_0:
0x88: {  	s2 =	sld [smem:$0x3FD9]  }
0x89: {  	s3 =	sld [smem:$0x3FFE];
	_ =	sdelay $0x1  }
0x8a: {  	s1 =	srdreg.scid  }
0x8b: {  	s0 =	sand.u32 $0x1, s1  }
0x8c: {  	s16 =	sshll.u32 s0, $0xA;
	s2 =	sadd.s32 s3, s2  }
0x8d: {  	s2 =	sadd.s32 s2, s16  }
0x8e: {  	[smem:$0x3FC5] =	sst s2  }
0x8f: {  	_ = 	snop  }
0x90: {  	(tm) =	ssettm $0x1  }
0x91: {  	s17 =	sld [smem:$0x3FFB];
	_ =	sdelay $0x3  }
0x92: {  	_ =	strace s17  }
0x93: {  	s2 =	sld [smem:$0x3FFC];
	_ =	sdelay $0x3  }
0x94: {  	_ =	strace s2  }
0x95: {  	s2 =	sld [smem:$0x3FFD];
	_ =	sdelay $0x3  }
0x96: {  	_ =	strace s2  }
0x97: {  	_ =	strace $0x8FFFFFFF  }
0x98: {  	s18 =	sld [smem:$0x3FDB];
	_ =	sdelay $0x1  }
0x99: {  	s19 =	simm.s32 $_scs_section_size  }
0x9a: {  	s4 =	simm.s32 $_size__tile_overlayer_lowered;
	s5 =	simm.s32 $_tile_overlayer_lowered  }
0x9b: {  	s22 =	simm.s32 $0x1BFF;
	s21 =	sshll.u32 s5, $0x1;
	s2 =	sadd.s32 s19, s18  }
0x9c: {  	s6 =	simm.s32 $0x0;
	s20 =	sshll.u32 s4, $0x1;
	s4 =	sadd.s32 s21, s2  }
0x9d: {  	[timem:s6], [sflag:s22] =	dma.local [hbm:s4], s20  }
0x9e: {  	_ =	swait.ge [sflag:s22], s20  }
0x9f: {  	s3 =	ssub.s32 $0x0, s20;
	[sflag:s22] =	ssyncset.done $0x0  }
0xa0: {  	[sflag:s22] =	ssyncadd.s32 s3;
	_ =	sdelay $0x1  }
0xa1: {  	s23 =	simm.s32 $0x1B8B  }
0xa2: {  	_ =	swait.ge [sflag:s23], $0x1  }
0xa3: {  	[sflag:s23] =	ssyncset.done $0x0  }
0xa4: {  	s25 =	simm.s32 $0x1B8E;
	s24 =	sld [smem:$0x3FFE];
	[sflag:s23] =	ssyncadd.s32 $0xFFFFFFFF  }
0xa5: {  	s26 =	simm.s32 $execute0_lowered;
	[smem:$0x3FD2] =	sst s25  }
0xa6: {  	s4 =	sshll.u32 s26, $0x1;
	_ =	strace $0x80000049;
	[dreg:$0x1] =	wrdreg $0xFFFFFFFF  }
0xa7: {  	s28 =	simm.s32 $_size_execute0_lowered;
	s2 =	sadd.s32 s2, s4;
	[dreg:$0x0] =	wrdreg $0x0  }
0xa8: {  	s4 =	sshll.u32 s28, $0x1;
	[dreg:$0x2] =	wrdreg s2  }
0xa9: {  	[dreg:$0x3] =	wrdreg s4  }
0xaa: {  	[dreg:$0x4] =	wrdreg $0xC0  }
0xab: {  	_ =	task [dreg:s6], $0x5FFFF  }
0xac: {  	[dreg:$0x1] =	wrdreg $0xFFFFFFFF  }
0xad: {  	[dreg:$0x0] =	wrdreg $0x60  }
0xae: {  	[dreg:$0x2] =	wrdreg s24  }
0xaf: {  	[dreg:$0x3] =	wrdreg $0x9  }
0xb0: {  	_ =	task.clear_ibuf [dreg:s6], $0x4FFFF;
	_ =	strace $0x90000049  }
0xb1: {  	s29 =	simm.s32 $0x9;
	_ =	strace $0x8000004B  }
0xb2: {  	_ =	swait.ge [sflag:s29], $0x1  }
0xb3: {  	[sflag:s29] =	ssyncadd.s32 $0xFFFFFFFF  }
0xb4: {  	_ =	strace $0x9000004B  }
0xb5: {  	_ =	sfence  }
0xb6: {  	s30 =	sld [smem:$0x0];
	_ =	sdelay $0x2  }
0xb7: {  	s31 =	sshll.u32 s1, $0xD;
	s1 =	sshrl.u32 s1, $0x2  }
0xb8: {  	s3 =	sand.u32 $0x4000, s31;
	s1 =	sadd.s32 s1, s30  }
0xb9: {  	s0 =	sor.u32 s3, s0;
	s1 =	sshll.u32 s1, $0x11  }
0xba: {  	s0 =	sor.u32 s1, s0  }
0xbb: {  	s0 =	sadd.s32 $0x8F2B, s0  }
0xbc: {  	[sflag:s0] =	ssyncadd.remote.s32 $0x1  }
0xbd: {  	_ =	sfence.sel $0xFFFF  }
0xbe: {  	[dreg:$0x0] =	wrdreg $0xFFFFFFFF;
	(pc) =	sbr.abs _section_cstart, $3  }
0xbf: {  	[dreg:$0x1] =	wrdreg $0xFFFFFFFF  }
0xc0: {  	_ =	task.clear_ibuf [dreg:s6], $0x2FFFF;
	_ =	strace $0x9FFFFFFF  }
0xc1: {  	(tm) =	ssettm $0x7FFFFFFF  }
tec
execute0_lowered:
.L_overlay_start_1:
0x0: {  	(tag) =	ssettag $0x1  }
0x1: {  	s1 =	srdreg.scid;
	s0 =	stileid.u32  }
0x2: {  	s8 =	rddreg [dreg:$0x0];
	s16 =	sand.u32 $0x1, s1;
	s31 =	sshll.u32 s0, $0x8  }
0x3: {  	s3 =	sshrl.u32 s0, $0x2;
	s2 =	sshll.u32 s16, $0x7;
	s1 =	sand.u32 $0x300, s31  }
0x4: {  	s6 =	simm.s32 $0x400;
	s4 =	sshll.u32 s3, $0xC;
	s5 =	sor.u32 s2, s1  }
0x5: {  	s1 =	rddreg [dreg:$0x1];
	s2 =	simm.s32 $0x0;
	s4 =	sor.u32 s4, s5  }
0x6: {  	s3 =	sshll.u32 s3, $0xA;
	[smem:$0x7FF] =	sst s2;
	s4 =	sshrl.u32 s4, $0x3  }
0x7: {  	s7 =	sor.u32 s3, s5;
	s5 =	simm.s32 $0x2;
	s4 =	sadd.s32 s4, s8  }
0x8: {  	_ =	strace $0x8000004A;
	s3 =	sadd.s32 $0x11800, s4;
	s4 =	simm.s32 $0x80  }
0x9: {  	[tilespmem:s2], [sflag:$0x2] =	stream.strided.gather [hbm4b:s3+s4], $0x200, s6, s4, $0x38;
	[tilespmem:$0x500] =	vst v63  }
0xa: {  	s7 =	sshrl.u32 s7, $0x3;
	_ =	swait.ge [sflag:s5], $0x200  }
0xb: {  	s17 =	sadd.s32 s7, s8;
	[sflag:s5] =	ssyncset.done $0x0  }
0xc: {  	s7 =	sadd.s32 $0x11600, s17;
	[sflag:s5] =	ssyncadd.s32 $0xFFFFFE00  }
0xd: {  	[tilespmem:s6], [sflag:$0x2] =	stream.linear.gather [hbm4b:s7+s2], $0x80, $0x38;
	[tilespmem:$0x500] =	vst v63  }
0xe: {  	_ =	swait.ge [sflag:s5], $0x80  }
0xf: {  	s9 =	simm.s32 $0x200;
	[sflag:s5] =	ssyncset.done $0x0  }
0x10: {  	s10 =	simm.s32 $0x1;
	s8 =	sadd.s32 $0x12000, s8;
	[sflag:s5] =	ssyncadd.s32 $0xFFFFFF80  }
0x11: {  	[tilespmem:s9], [sflag:$0x1] =	stream.indirect.gather [hbm4b:s8+s4], $0x1, s2, s4, $0xb8;
	[tilespmem:$0x500] =	vst v63  }
0x12: {  	_ =	swait.ge [sflag:s10], $0x80  }
0x13: {  	[sflag:s10] =	ssyncset.done $0x0  }
0x14: {  	s11 =	simm.s32 $0x280;
	[sflag:s10] =	ssyncadd.s32 $0xFFFFFF80  }
0x15: {  	[tilespmem:s11], [sflag:$0x1] =	stream.indirect.gather [hbm4b:s8+s4], $0x1, s4, s4, $0xb8;
	[tilespmem:$0x500] =	vst v63  }
0x16: {  	_ =	swait.ge [sflag:s10], $0x80  }
0x17: {  	[sflag:s10] =	ssyncset.done $0x0  }
0x18: {  	s12 =	simm.s32 $0x100;
	s13 =	simm.s32 $0x300;
	[sflag:s10] =	ssyncadd.s32 $0xFFFFFF80  }
0x19: {  	[tilespmem:s13], [sflag:$0x1] =	stream.indirect.gather [hbm4b:s8+s4], $0x1, s12, s4, $0xb8;
	[tilespmem:$0x500] =	vst v63  }
0x1a: {  	_ =	swait.ge [sflag:s10], $0x80  }
0x1b: {  	[sflag:s10] =	ssyncset.done $0x0  }
0x1c: {  	s14 =	simm.s32 $0x180;
	s15 =	simm.s32 $0x380;
	[sflag:s10] =	ssyncadd.s32 $0xFFFFFF80  }
0x1d: {  	[tilespmem:s15], [sflag:$0x1] =	stream.indirect.gather [hbm4b:s8+s4], $0x1, s14, s4, $0xb8;
	[tilespmem:$0x500] =	vst v63  }
0x1e: {  	_ =	swait.ge [sflag:s10], $0x80  }
0x1f: {  	[sflag:s10] =	ssyncset.done $0x0  }
0x20: {  	[sflag:s10] =	ssyncadd.s32 $0xFFFFFF80  }
0x21: {  	v0 =	vld [tilespmem:$0x200];
	_ =	sdelay $0x1  }
0x22: {  	v1 =	vld [tilespmem:$0x210];
	_ =	sdelay $0x1  }
0x23: {  	v2 =	vld [tilespmem:$0x220]  }
0x24: {  	v0 =	vadd.f32 $0.0e+00, v0  }
0x25: {  	v3 =	vld [tilespmem:$0x230]  }
0x26: {  	v0 =	vadd.f32 v1, v0  }
0x27: {  	v35 =	vld [tilespmem:$0x240]  }
0x28: {  	v0 =	vadd.f32 v2, v0  }
0x29: {  	v36 =	vld [tilespmem:$0x250]  }
0x2a: {  	v0 =	vadd.f32 v3, v0  }
0x2b: {  	v37 =	vld [tilespmem:$0x260]  }
0x2c: {  	v0 =	vadd.f32 v35, v0  }
0x2d: {  	v38 =	vld [tilespmem:$0x270]  }
0x2e: {  	v0 =	vadd.f32 v36, v0  }
0x2f: {  	v39 =	vld [tilespmem:$0x280]  }
0x30: {  	v0 =	vadd.f32 v37, v0  }
0x31: {  	v40 =	vld [tilespmem:$0x290]  }
0x32: {  	v0 =	vadd.f32 v38, v0  }
0x33: {  	v41 =	vld [tilespmem:$0x2A0]  }
0x34: {  	v0 =	vadd.f32 v39, v0  }
0x35: {  	v42 =	vld [tilespmem:$0x2B0]  }
0x36: {  	v0 =	vadd.f32 v40, v0  }
0x37: {  	v43 =	vld [tilespmem:$0x2C0]  }
0x38: {  	v0 =	vadd.f32 v41, v0  }
0x39: {  	v44 =	vld [tilespmem:$0x2D0]  }
0x3a: {  	v0 =	vadd.f32 v42, v0  }
0x3b: {  	v45 =	vld [tilespmem:$0x2E0]  }
0x3c: {  	v0 =	vadd.f32 v43, v0  }
0x3d: {  	v46 =	vld [tilespmem:$0x2F0]  }
0x3e: {  	v0 =	vadd.f32 v44, v0  }
0x3f: {  	v47 =	vld [tilespmem:$0x300]  }
0x40: {  	v0 =	vadd.f32 v45, v0  }
0x41: {  	v48 =	vld [tilespmem:$0x310]  }
0x42: {  	v0 =	vadd.f32 v46, v0  }
0x43: {  	v49 =	vld [tilespmem:$0x320]  }
0x44: {  	v0 =	vadd.f32 v47, v0  }
0x45: {  	v50 =	vld [tilespmem:$0x330]  }
0x46: {  	v0 =	vadd.f32 v48, v0  }
0x47: {  	v51 =	vld [tilespmem:$0x340]  }
0x48: {  	v0 =	vadd.f32 v49, v0  }
0x49: {  	v52 =	vld [tilespmem:$0x350]  }
0x4a: {  	v0 =	vadd.f32 v50, v0  }
0x4b: {  	v53 =	vld [tilespmem:$0x360]  }
0x4c: {  	v0 =	vadd.f32 v51, v0  }
0x4d: {  	v54 =	vld [tilespmem:$0x370]  }
0x4e: {  	v0 =	vadd.f32 v52, v0  }
0x4f: {  	v55 =	vld [tilespmem:$0x380]  }
0x50: {  	v0 =	vadd.f32 v53, v0  }
0x51: {  	v56 =	vld [tilespmem:$0x390]  }
0x52: {  	v0 =	vadd.f32 v54, v0  }
0x53: {  	v57 =	vld [tilespmem:$0x3A0]  }
0x54: {  	v0 =	vadd.f32 v55, v0  }
0x55: {  	v58 =	vld [tilespmem:$0x3B0]  }
0x56: {  	v0 =	vadd.f32 v56, v0  }
0x57: {  	v59 =	vld [tilespmem:$0x3C0]  }
0x58: {  	v0 =	vadd.f32 v57, v0  }
0x59: {  	v60 =	vld [tilespmem:$0x3D0]  }
0x5a: {  	v0 =	vadd.f32 v58, v0  }
0x5b: {  	v61 =	vld [tilespmem:$0x3E0]  }
0x5c: {  	v0 =	vadd.f32 v59, v0  }
0x5d: {  	v62 =	vld [tilespmem:$0x3F0]  }
0x5e: {  	v0 =	vadd.f32 v60, v0  }
0x5f: {  	v63 =	vld [tilespmem:$0x400]  }
0x60: {  	s16 =	ssub.s32 $0x2, s16;
	v0 =	vadd.f32 v61, v0  }
0x61: {  	s18 =	sshrl.u32 s16, $0x1  }
0x62: {  	s18 =	ssub.s32 s16, s18;
	v0 =	vadd.f32 v62, v0  }
0x63: {  	s18 =	smax.u32 s18, $0x1  }
0x64: {  	p0 =	sne.s32 s18, $0x1;
	v0 =	vsub.f32 v0, v63  }
.Ltmp0:
0x65: {  	_ = 	snop;
	(pc) =	sbr.rel @!p0 .LBB2_2-.Ltmp0, $4  }
0x66: {  	s16 =	sadd.s32 $0x600, s17;
	s17 =	simm.s32 $0x480;
	[tilespmem:$0x480] =	vst v0  }
0x67: {  	[hbm4b:s16+s2] =	stream.linear.scatter [tilespmem:s17], [sflag:$0x2], $0x80, $0x38;
	[tilespmem:$0x500] =	vst v63  }
0x68: {  	_ =	swait.ge [sflag:s5], $0x80  }
0x69: {  	s18 =	sadd.s32 $0xFFFFFFFF, s18;
	[sflag:s5] =	ssyncset.done $0x0  }
.LBB2_1:
0x6a: {  	p0 =	sne.s32 s18, $0x1;
	s18 =	sadd.s32 $0xFFFFFFFF, s18;
	[sflag:s5] =	ssyncadd.s32 $0xFFFFFF80  }
0x6b: {  	[tilespmem:s2], [sflag:$0x2] =	stream.strided.gather [hbm4b:s3+s4], $0x200, s6, s4, $0x38;
	[tilespmem:$0x500] =	vst v63  }
0x6c: {  	_ =	swait.ge [sflag:s5], $0x200  }
0x6d: {  	[sflag:s5] =	ssyncset.done $0x0  }
0x6e: {  	[sflag:s5] =	ssyncadd.s32 $0xFFFFFE00  }
0x6f: {  	[tilespmem:s6], [sflag:$0x2] =	stream.linear.gather [hbm4b:s7+s2], $0x80, $0x38;
	[tilespmem:$0x500] =	vst v63  }
0x70: {  	_ =	swait.ge [sflag:s5], $0x80  }
0x71: {  	[sflag:s5] =	ssyncset.done $0x0  }
0x72: {  	[sflag:s5] =	ssyncadd.s32 $0xFFFFFF80  }
0x73: {  	[tilespmem:s9], [sflag:$0x1] =	stream.indirect.gather [hbm4b:s8+s4], $0x1, s2, s4, $0xb8;
	[tilespmem:$0x500] =	vst v63  }
0x74: {  	_ =	swait.ge [sflag:s10], $0x80  }
0x75: {  	[sflag:s10] =	ssyncset.done $0x0  }
0x76: {  	[sflag:s10] =	ssyncadd.s32 $0xFFFFFF80  }
0x77: {  	[tilespmem:s11], [sflag:$0x1] =	stream.indirect.gather [hbm4b:s8+s4], $0x1, s4, s4, $0xb8;
	[tilespmem:$0x500] =	vst v63  }
0x78: {  	_ =	swait.ge [sflag:s10], $0x80  }
0x79: {  	[sflag:s10] =	ssyncset.done $0x0  }
0x7a: {  	[sflag:s10] =	ssyncadd.s32 $0xFFFFFF80  }
0x7b: {  	[tilespmem:s13], [sflag:$0x1] =	stream.indirect.gather [hbm4b:s8+s4], $0x1, s12, s4, $0xb8;
	[tilespmem:$0x500] =	vst v63  }
0x7c: {  	_ =	swait.ge [sflag:s10], $0x80  }
0x7d: {  	[sflag:s10] =	ssyncset.done $0x0  }
0x7e: {  	[sflag:s10] =	ssyncadd.s32 $0xFFFFFF80  }
0x7f: {  	[tilespmem:s15], [sflag:$0x1] =	stream.indirect.gather [hbm4b:s8+s4], $0x1, s14, s4, $0xb8;
	[tilespmem:$0x500] =	vst v63  }
0x80: {  	_ =	swait.ge [sflag:s10], $0x80  }
0x81: {  	[sflag:s10] =	ssyncset.done $0x0  }
0x82: {  	[sflag:s10] =	ssyncadd.s32 $0xFFFFFF80  }
0x83: {  	v0 =	vld [tilespmem:$0x200];
	_ =	sdelay $0x1  }
0x84: {  	v1 =	vld [tilespmem:$0x210];
	_ =	sdelay $0x1  }
0x85: {  	v2 =	vld [tilespmem:$0x220]  }
0x86: {  	v0 =	vadd.f32 $0.0e+00, v0  }
0x87: {  	v3 =	vld [tilespmem:$0x230]  }
0x88: {  	v0 =	vadd.f32 v1, v0  }
0x89: {  	v1 =	vld [tilespmem:$0x240]  }
0x8a: {  	v0 =	vadd.f32 v2, v0  }
0x8b: {  	v2 =	vld [tilespmem:$0x250]  }
0x8c: {  	v0 =	vadd.f32 v3, v0  }
0x8d: {  	v3 =	vld [tilespmem:$0x260]  }
0x8e: {  	v0 =	vadd.f32 v1, v0  }
0x8f: {  	v1 =	vld [tilespmem:$0x270]  }
0x90: {  	v0 =	vadd.f32 v2, v0  }
0x91: {  	v2 =	vld [tilespmem:$0x280]  }
0x92: {  	v0 =	vadd.f32 v3, v0  }
0x93: {  	v3 =	vld [tilespmem:$0x290]  }
0x94: {  	v0 =	vadd.f32 v1, v0  }
0x95: {  	v1 =	vld [tilespmem:$0x2A0]  }
0x96: {  	v0 =	vadd.f32 v2, v0  }
0x97: {  	v2 =	vld [tilespmem:$0x2B0]  }
0x98: {  	v0 =	vadd.f32 v3, v0  }
0x99: {  	v3 =	vld [tilespmem:$0x2C0]  }
0x9a: {  	v0 =	vadd.f32 v1, v0  }
0x9b: {  	v1 =	vld [tilespmem:$0x2D0]  }
0x9c: {  	v0 =	vadd.f32 v2, v0  }
0x9d: {  	v2 =	vld [tilespmem:$0x2E0]  }
0x9e: {  	v0 =	vadd.f32 v3, v0  }
0x9f: {  	v3 =	vld [tilespmem:$0x2F0]  }
0xa0: {  	v0 =	vadd.f32 v1, v0  }
0xa1: {  	v1 =	vld [tilespmem:$0x300]  }
0xa2: {  	v0 =	vadd.f32 v2, v0  }
0xa3: {  	v2 =	vld [tilespmem:$0x310]  }
0xa4: {  	v0 =	vadd.f32 v3, v0  }
0xa5: {  	v3 =	vld [tilespmem:$0x320]  }
0xa6: {  	v0 =	vadd.f32 v1, v0  }
0xa7: {  	v1 =	vld [tilespmem:$0x330]  }
0xa8: {  	v0 =	vadd.f32 v2, v0  }
0xa9: {  	v2 =	vld [tilespmem:$0x340]  }
0xaa: {  	v0 =	vadd.f32 v3, v0  }
0xab: {  	v3 =	vld [tilespmem:$0x350]  }
0xac: {  	v0 =	vadd.f32 v1, v0  }
0xad: {  	v1 =	vld [tilespmem:$0x360]  }
0xae: {  	v0 =	vadd.f32 v2, v0  }
0xaf: {  	v2 =	vld [tilespmem:$0x370]  }
0xb0: {  	v0 =	vadd.f32 v3, v0  }
0xb1: {  	v3 =	vld [tilespmem:$0x380]  }
0xb2: {  	v0 =	vadd.f32 v1, v0  }
0xb3: {  	v1 =	vld [tilespmem:$0x390]  }
0xb4: {  	v0 =	vadd.f32 v2, v0  }
0xb5: {  	v2 =	vld [tilespmem:$0x3A0]  }
0xb6: {  	v0 =	vadd.f32 v3, v0  }
0xb7: {  	v3 =	vld [tilespmem:$0x3B0]  }
0xb8: {  	v0 =	vadd.f32 v1, v0  }
0xb9: {  	v1 =	vld [tilespmem:$0x3C0]  }
0xba: {  	v0 =	vadd.f32 v2, v0  }
0xbb: {  	v2 =	vld [tilespmem:$0x3D0]  }
0xbc: {  	v0 =	vadd.f32 v3, v0  }
0xbd: {  	v3 =	vld [tilespmem:$0x3E0]  }
0xbe: {  	v0 =	vadd.f32 v1, v0  }
0xbf: {  	v1 =	vld [tilespmem:$0x3F0]  }
0xc0: {  	v0 =	vadd.f32 v2, v0  }
0xc1: {  	v2 =	vld [tilespmem:$0x400]  }
0xc2: {  	v0 =	vadd.f32 v3, v0;
	_ =	sdelay $0x1  }
0xc3: {  	v0 =	vadd.f32 v1, v0;
	_ =	sdelay $0x1  }
0xc4: {  	v0 =	vsub.f32 v0, v2  }
.Ltmp1:
0xc5: {  	(pc) =	sbr.rel @p0 .LBB2_1-.Ltmp1, $4  }
0xc6: {  	[tilespmem:$0x480] =	vst v0  }
0xc7: {  	[hbm4b:s16+s2] =	stream.linear.scatter [tilespmem:s17], [sflag:$0x2], $0x80, $0x38;
	[tilespmem:$0x500] =	vst v63  }
0xc8: {  	_ =	swait.ge [sflag:s5], $0x80  }
0xc9: {  	[sflag:s5] =	ssyncset.done $0x0  }
.LBB2_2:
0xca: {  	[sflag:s5] =	ssyncadd.s32 $0xFFFFFF80  }
0xcb: {  	_ =	sfence.sel $0x180000  }
0xcc: {  	[bflag:$0x0] =	sbarrier.arrive $0xFFFF  }
0xcd: {  	p0 =	sne.s32 s0, $0x0;
	_ =	strace $0x9000004A  }
0xce: {  	s0 =	sadd.s32 @!p0 $0x100000, s1;
	[bflag:$0x2] =	sbarrier.arrive $0xFFFF  }
0xcf: {  	[sflag:s0] =	ssyncadd.tile.s32 @!p0 $0x1;
	_ =	shalt  }
.Lfunc_end2:
_tile_overlayer_lowered:
.L_overlay_start_2:
0xd0: {  	(tag) =	ssettag $0x2  }
0xd1: {  	s0 =	rddreg [dreg:$0x0];
	s2 =	stileid.u32  }
0xd2: {  	s1 =	rddreg [dreg:$0x1];
	p0 =	sne.s32 s2, $0x0  }
0xd3: {  	s3 =	rddreg [dreg:$0x2];
	[bflag:$0x3] =	sbarrier.arrive $0xFFFF;
	s2 =	simm.s32 @!p0 $0x1C02  }
0xd4: {  	[timem:s3], [sflag:s2] =	dma.local @!p0 [hbm:s0], s1  }
0xd5: {  	s0 =	simm.s32 @!p0 $0x2  }
0xd6: {  	_ =	swait.ge @!p0 [sflag:s0], s1  }
0xd7: {  	s1 =	ssub.s32 @!p0 $0x0, s1;
	[sflag:s0] =	ssyncset.done @!p0 $0x0  }
0xd8: {  	[sflag:s0] =	ssyncadd.s32 @!p0 s1  }
0xd9: {  	[bflag:$0x3] =	sbarrier.arrive $0xFFFF  }
0xda: {  	_ =	shalt  }

</sc_bundles>
